<compile_context>
chip_gen: v7x
topology: tpu7x:2x2x1
jax: 0.10.2.dev20260603
libtpu: 0.0.44.dev20260713+nightly
codegen_flags: <defaults>
</compile_context>

<pallas_src>
import jax
import jax.numpy as jnp
from jax import lax
from jax.experimental import pallas as pl
from jax.experimental.pallas import tpu as pltpu
from jax.experimental.pallas import tpu_sc as plsc

BATCH = 16384
HIST = 50
EMBEDDING_DIM = 64

_INFO = plsc.get_sparse_core_info()
_NC = _INFO.num_cores
_NS = _INFO.num_subcores
_NW = _NC * _NS

_B = BATCH * HIST
_BLK = 128
_NBLOCKS = _B // _BLK
_BLOCKS_PER_WORKER = _NBLOCKS // _NW
_TPB = BATCH // _BLK
_NBUF = 2
_PITCH = _BLK + 1


def _body(idx_hbm, table_hbm, out_hbm, idx_v, raw_v, tile_v, gat_sems, out_sems):
    wid = lax.axis_index("s") * _NC + lax.axis_index("c")
    blk0 = wid * _BLOCKS_PER_WORKER
    base_irow = pl.multiple_of(blk0, 8)

    pltpu.sync_copy(idx_hbm.at[pl.ds(base_irow, _BLOCKS_PER_WORKER)], idx_v)

    iota = jax.lax.iota(jnp.int32, 16)

    def fire_gather(g, b):
        pltpu.async_copy(table_hbm.at[idx_v.at[g]], raw_v.at[b], gat_sems[b])

    def wait_gather(g, b):
        pltpu.make_async_copy(
            table_hbm.at[idx_v.at[g]], raw_v.at[b], gat_sems[b]
        ).wait()

    def out_dst(g):
        blk = blk0 + g
        h = blk // _TPB
        t = blk % _TPB
        return out_hbm.at[h, :, t]

    def fire_out(g, b):
        pltpu.async_copy(
            tile_v.at[b, :, :, pl.ds(0, _BLK)], out_dst(g), out_sems[b]
        )

    def wait_out(g, b):
        pltpu.make_async_copy(
            tile_v.at[b, :, :, pl.ds(0, _BLK)], out_dst(g), out_sems[b]
        ).wait()

    gg_vecs = [(16 * j + iota) // 8 for j in range(4)]
    dd_vecs = [(16 * j + iota) % 8 for j in range(4)]

    def transpose(b):
        bvec = jnp.full((16,), b, dtype=jnp.int32)

        @plsc.parallel_loop(0, _BLK, unroll=4)
        def _tok(c):
            cvec = jnp.full((16,), c, dtype=jnp.int32)
            for j in range(4):
                vals = raw_v[b, c, pl.ds(16 * j, 16)]
                plsc.store_scatter(
                    tile_v, [bvec, gg_vecs[j], dd_vecs[j], cvec], vals
                )

    for b in range(_NBUF):
        fire_gather(b, b)

    @pl.loop(0, _BLOCKS_PER_WORKER, step=_NBUF)
    def _blk(g0):
        for b in range(_NBUF):
            g = g0 + b
            wait_gather(g, b)

            @pl.when(g0 > 0)
            def _():
                wait_out(g - _NBUF, b)

            transpose(b)
            fire_out(g, b)

            @pl.when(g + _NBUF < _BLOCKS_PER_WORKER)
            def _():
                fire_gather(g + _NBUF, b)

    for b in range(_NBUF):
        wait_out(_BLOCKS_PER_WORKER - _NBUF + b, b)


@jax.jit
def _lookup(idx2d, table):
    mesh = plsc.VectorSubcoreMesh(core_axis_name="c", subcore_axis_name="s")
    fn = pl.kernel(
        _body,
        out_type=jax.ShapeDtypeStruct((HIST, 8, _TPB, 8, _BLK), jnp.float32),
        mesh=mesh,
        scratch_types=[
            pltpu.VMEM((_BLOCKS_PER_WORKER, _BLK), jnp.int32),
            pltpu.VMEM((_NBUF, _BLK, EMBEDDING_DIM), jnp.float32),
            pltpu.VMEM((_NBUF, 8, 8, _PITCH), jnp.float32),
            [pltpu.SemaphoreType.DMA] * _NBUF,
            [pltpu.SemaphoreType.DMA] * _NBUF,
        ],
        compiler_params=pltpu.CompilerParams(
            use_tc_tiling_on_sc=False, needs_layout_passes=False
        ),
    )
    return fn(idx2d, table)


def kernel(token_ids, embedding):
    idx2d = jnp.reshape(token_ids.T.astype(jnp.int32), (_NBLOCKS, _BLK))
    out5 = _lookup(idx2d, embedding)
    return out5.transpose(2, 4, 0, 1, 3).reshape(BATCH, HIST, EMBEDDING_DIM)

# --- scband reference (transcript-rebuilt; emitter-appended) ---
"""Pipeline reference for scband-embedding-45810121179707 (READ-ONLY COPY).

The authoritative reference and input builder live on the scoring server;
editing this copy changes nothing except your own understanding.
"""

import jax, jax.numpy as jnp
import numpy as np

NUM_EMBEDDINGS = 1000000
EMBEDDING_DIM = 64
BATCH = 16384
HIST = 50

def setup_inputs(seed: int = 0) -> dict:
    key = jax.random.key(seed)
    k_ids, k_emb = jax.random.split(key)
    token_ids = jax.random.randint(k_ids, (BATCH, HIST), 0, NUM_EMBEDDINGS, dtype=jnp.int64 if jax.config.jax_enable_x64 else jnp.int32)
    embedding = jax.random.normal(k_emb, (NUM_EMBEDDINGS, EMBEDDING_DIM), dtype=jnp.float32)
    return {"token_ids": token_ids, "embedding": embedding}

def reference(token_ids, embedding):
    # Faithful translation of: self.embedding[token_ids]
    return jnp.take(embedding, token_ids, axis=0)

if __name__ == "__main__":
    import jax
    _d = setup_inputs()
    print(jax.jit(kernel)(*tuple(_d.values())))

</pallas_src>

<mosaic_0001>
#map = affine_map<(d0, d1) -> (0, 0)>
#map1 = affine_map<(d0, d1) -> (0, 0, 0, 0, 0)>
module attributes {stable_mosaic.version = 14 : i64} {
  func.func @_body(%arg0: i32, %arg1: i32, %arg2: memref<6400x128xi32, #tpu.memory_space<hbm>>, %arg3: memref<1000000x64xf32, #tpu.memory_space<hbm>>, %arg4: memref<50x8x128x8x128xf32, #tpu.memory_space<hbm>>, %arg5: memref<200x128xi32, #tpu.memory_space<vmem>>, %arg6: memref<2x128x64xf32, #tpu.memory_space<vmem>>, %arg7: memref<2x8x8x129xf32, #tpu.memory_space<vmem>>, %arg8: memref<!tpu.dma_semaphore, #tpu.memory_space<semaphore_mem>>, %arg9: memref<!tpu.dma_semaphore, #tpu.memory_space<semaphore_mem>>, %arg10: memref<!tpu.dma_semaphore, #tpu.memory_space<semaphore_mem>>, %arg11: memref<!tpu.dma_semaphore, #tpu.memory_space<semaphore_mem>>) attributes {dimension_semantics = [#tpu.dimension_semantics<core_parallel>, #tpu.dimension_semantics<subcore_parallel>], iteration_bounds = array<i64: 2, 16>, scalar_prefetch = 0 : i64, scratch_operands = 7 : i64, tpu.core_type = #tpu.core_type<sc_vector_subcore>, window_params = [{transform_indices = #map}, {transform_indices = #map}, {transform_indices = #map1}]} {
    %mul3A = arith.constant 2 : i32
    %mul3A_0 = arith.muli %arg1, %mul3A : i32
    %add3A = arith.addi %mul3A_0, %arg0 : i32
    %mul3A_1 = arith.constant 200 : i32
    %mul3A_2 = arith.muli %add3A, %mul3A_1 : i32
    %multiple_of3A = tpu.assume_multiple %mul3A_2, 8 : i32
    "tpu.region"() ({
      %run_scoped3A = tpu.sem_alloc : memref<!tpu.dma_semaphore, #tpu.memory_space<semaphore_mem>>
      %dma_start3A_381 = arith.constant 0 : i32
      %dma_start3A_382 = tpu.memref_slice %arg2[%multiple_of3A, %dma_start3A_381] : memref<6400x128xi32, #tpu.memory_space<hbm>> -> memref<200x128xi32, #tpu.memory_space<hbm>>
      %dma_start3A_383 = arith.constant 0 : i32
      %dma_start3A_384 = tpu.memref_slice %arg2[%multiple_of3A, %dma_start3A_383] : memref<6400x128xi32, #tpu.memory_space<hbm>> -> memref<200x128xi32, #tpu.memory_space<hbm>>
      tpu.enqueue_dma source(%dma_start3A_384 : memref<200x128xi32, #tpu.memory_space<hbm>>) target(%arg5 : memref<200x128xi32, #tpu.memory_space<vmem>>) target_semaphore(%run_scoped3A : memref<!tpu.dma_semaphore, #tpu.memory_space<semaphore_mem>>)
      %dma_wait3A_385 = arith.constant 0 : i32
      %dma_wait3A_386 = tpu.memref_slice %arg2[%multiple_of3A, %dma_wait3A_385] : memref<6400x128xi32, #tpu.memory_space<hbm>> -> memref<200x128xi32, #tpu.memory_space<hbm>>
      %dma_wait3A_387 = arith.constant 0 : i32
      %dma_wait3A_388 = tpu.memref_slice %arg2[%multiple_of3A, %dma_wait3A_387] : memref<6400x128xi32, #tpu.memory_space<hbm>> -> memref<200x128xi32, #tpu.memory_space<hbm>>
      tpu.wait_dma2 semaphore(%run_scoped3A : memref<!tpu.dma_semaphore, #tpu.memory_space<semaphore_mem>>) src(%dma_wait3A_388 : memref<200x128xi32, #tpu.memory_space<hbm>>) dst(%arg5 : memref<200x128xi32, #tpu.memory_space<vmem>>)
      tpu.yield
    }) : () -> ()
    %iota3A = tpu.iota {dimensions = array<i32: 0>} : vector<16xi32>
    %add3A_3 = arith.constant 0 : i32
    %add3A_4 = vector.broadcast %add3A_3 : i32 to vector<16xi32>
    %add3A_5 = arith.addi %add3A_4, %iota3A : vector<16xi32>
    %jit3A = arith.constant 8 : i32
    %div3A = vector.broadcast %jit3A : i32 to vector<16xi32>
    %div3A_6 = arith.divsi %add3A_5, %div3A : vector<16xi32>
    %sign3A = arith.constant 0 : i32
    %sign3A_7 = vector.broadcast %sign3A : i32 to vector<16xi32>
    %sign3A_8 = arith.cmpi sgt, %add3A_5, %sign3A_7 : vector<16xi32>
    %sign3A_9 = arith.extui %sign3A_8 : vector<16xi1> to vector<16xi32>
    %sign3A_10 = arith.constant 0 : i32
    %sign3A_11 = vector.broadcast %sign3A_10 : i32 to vector<16xi32>
    %sign3A_12 = arith.cmpi slt, %add3A_5, %sign3A_11 : vector<16xi32>
    %sign3A_13 = arith.extui %sign3A_12 : vector<16xi1> to vector<16xi32>
    %sign3A_14 = arith.subi %sign3A_9, %sign3A_13 : vector<16xi32>
    %sign3A_15 = arith.constant 0 : i32
    %sign3A_16 = arith.cmpi sgt, %jit3A, %sign3A_15 : i32
    %sign3A_17 = arith.extui %sign3A_16 : i1 to i32
    %sign3A_18 = arith.constant 0 : i32
    %sign3A_19 = arith.cmpi slt, %jit3A, %sign3A_18 : i32
    %sign3A_20 = arith.extui %sign3A_19 : i1 to i32
    %sign3A_21 = arith.subi %sign3A_17, %sign3A_20 : i32
    %ne3A = vector.broadcast %sign3A_21 : i32 to vector<16xi32>
    %ne3A_22 = arith.cmpi ne, %sign3A_14, %ne3A : vector<16xi32>
    %rem3A = vector.broadcast %jit3A : i32 to vector<16xi32>
    %rem3A_23 = arith.remsi %add3A_5, %rem3A : vector<16xi32>
    %ne3A_24 = arith.constant 0 : i32
    %ne3A_25 = vector.broadcast %ne3A_24 : i32 to vector<16xi32>
    %ne3A_26 = arith.cmpi ne, %rem3A_23, %ne3A_25 : vector<16xi32>
    %and3A = arith.andi %ne3A_22, %ne3A_26 : vector<16xi1>
    %sub3A = arith.constant 1 : i32
    %sub3A_27 = vector.broadcast %sub3A : i32 to vector<16xi32>
    %sub3A_28 = arith.subi %div3A_6, %sub3A_27 : vector<16xi32>
    %select_n3A = arith.select %and3A, %sub3A_28, %div3A_6 : vector<16xi1>, vector<16xi32>
    %add3A_29 = arith.constant 16 : i32
    %add3A_30 = vector.broadcast %add3A_29 : i32 to vector<16xi32>
    %add3A_31 = arith.addi %add3A_30, %iota3A : vector<16xi32>
    %jit3A_32 = arith.constant 8 : i32
    %div3A_33 = vector.broadcast %jit3A_32 : i32 to vector<16xi32>
    %div3A_34 = arith.divsi %add3A_31, %div3A_33 : vector<16xi32>
    %sign3A_35 = arith.constant 0 : i32
    %sign3A_36 = vector.broadcast %sign3A_35 : i32 to vector<16xi32>
    %sign3A_37 = arith.cmpi sgt, %add3A_31, %sign3A_36 : vector<16xi32>
    %sign3A_38 = arith.extui %sign3A_37 : vector<16xi1> to vector<16xi32>
    %sign3A_39 = arith.constant 0 : i32
    %sign3A_40 = vector.broadcast %sign3A_39 : i32 to vector<16xi32>
    %sign3A_41 = arith.cmpi slt, %add3A_31, %sign3A_40 : vector<16xi32>
    %sign3A_42 = arith.extui %sign3A_41 : vector<16xi1> to vector<16xi32>
    %sign3A_43 = arith.subi %sign3A_38, %sign3A_42 : vector<16xi32>
    %sign3A_44 = arith.constant 0 : i32
    %sign3A_45 = arith.cmpi sgt, %jit3A_32, %sign3A_44 : i32
    %sign3A_46 = arith.extui %sign3A_45 : i1 to i32
    %sign3A_47 = arith.constant 0 : i32
    %sign3A_48 = arith.cmpi slt, %jit3A_32, %sign3A_47 : i32
    %sign3A_49 = arith.extui %sign3A_48 : i1 to i32
    %sign3A_50 = arith.subi %sign3A_46, %sign3A_49 : i32
    %ne3A_51 = vector.broadcast %sign3A_50 : i32 to vector<16xi32>
    %ne3A_52 = arith.cmpi ne, %sign3A_43, %ne3A_51 : vector<16xi32>
    %rem3A_53 = vector.broadcast %jit3A_32 : i32 to vector<16xi32>
    %rem3A_54 = arith.remsi %add3A_31, %rem3A_53 : vector<16xi32>
    %ne3A_55 = arith.constant 0 : i32
    %ne3A_56 = vector.broadcast %ne3A_55 : i32 to vector<16xi32>
    %ne3A_57 = arith.cmpi ne, %rem3A_54, %ne3A_56 : vector<16xi32>
    %and3A_58 = arith.andi %ne3A_52, %ne3A_57 : vector<16xi1>
    %sub3A_59 = arith.constant 1 : i32
    %sub3A_60 = vector.broadcast %sub3A_59 : i32 to vector<16xi32>
    %sub3A_61 = arith.subi %div3A_34, %sub3A_60 : vector<16xi32>
    %select_n3A_62 = arith.select %and3A_58, %sub3A_61, %div3A_34 : vector<16xi1>, vector<16xi32>
    %add3A_63 = arith.constant 32 : i32
    %add3A_64 = vector.broadcast %add3A_63 : i32 to vector<16xi32>
    %add3A_65 = arith.addi %add3A_64, %iota3A : vector<16xi32>
    %jit3A_66 = arith.constant 8 : i32
    %div3A_67 = vector.broadcast %jit3A_66 : i32 to vector<16xi32>
    %div3A_68 = arith.divsi %add3A_65, %div3A_67 : vector<16xi32>
    %sign3A_69 = arith.constant 0 : i32
    %sign3A_70 = vector.broadcast %sign3A_69 : i32 to vector<16xi32>
    %sign3A_71 = arith.cmpi sgt, %add3A_65, %sign3A_70 : vector<16xi32>
    %sign3A_72 = arith.extui %sign3A_71 : vector<16xi1> to vector<16xi32>
    %sign3A_73 = arith.constant 0 : i32
    %sign3A_74 = vector.broadcast %sign3A_73 : i32 to vector<16xi32>
    %sign3A_75 = arith.cmpi slt, %add3A_65, %sign3A_74 : vector<16xi32>
    %sign3A_76 = arith.extui %sign3A_75 : vector<16xi1> to vector<16xi32>
    %sign3A_77 = arith.subi %sign3A_72, %sign3A_76 : vector<16xi32>
    %sign3A_78 = arith.constant 0 : i32
    %sign3A_79 = arith.cmpi sgt, %jit3A_66, %sign3A_78 : i32
    %sign3A_80 = arith.extui %sign3A_79 : i1 to i32
    %sign3A_81 = arith.constant 0 : i32
    %sign3A_82 = arith.cmpi slt, %jit3A_66, %sign3A_81 : i32
    %sign3A_83 = arith.extui %sign3A_82 : i1 to i32
    %sign3A_84 = arith.subi %sign3A_80, %sign3A_83 : i32
    %ne3A_85 = vector.broadcast %sign3A_84 : i32 to vector<16xi32>
    %ne3A_86 = arith.cmpi ne, %sign3A_77, %ne3A_85 : vector<16xi32>
    %rem3A_87 = vector.broadcast %jit3A_66 : i32 to vector<16xi32>
    %rem3A_88 = arith.remsi %add3A_65, %rem3A_87 : vector<16xi32>
    %ne3A_89 = arith.constant 0 : i32
    %ne3A_90 = vector.broadcast %ne3A_89 : i32 to vector<16xi32>
    %ne3A_91 = arith.cmpi ne, %rem3A_88, %ne3A_90 : vector<16xi32>
    %and3A_92 = arith.andi %ne3A_86, %ne3A_91 : vector<16xi1>
    %sub3A_93 = arith.constant 1 : i32
    %sub3A_94 = vector.broadcast %sub3A_93 : i32 to vector<16xi32>
    %sub3A_95 = arith.subi %div3A_68, %sub3A_94 : vector<16xi32>
    %select_n3A_96 = arith.select %and3A_92, %sub3A_95, %div3A_68 : vector<16xi1>, vector<16xi32>
    %add3A_97 = arith.constant 48 : i32
    %add3A_98 = vector.broadcast %add3A_97 : i32 to vector<16xi32>
    %add3A_99 = arith.addi %add3A_98, %iota3A : vector<16xi32>
    %jit3A_100 = arith.constant 8 : i32
    %div3A_101 = vector.broadcast %jit3A_100 : i32 to vector<16xi32>
    %div3A_102 = arith.divsi %add3A_99, %div3A_101 : vector<16xi32>
    %sign3A_103 = arith.constant 0 : i32
    %sign3A_104 = vector.broadcast %sign3A_103 : i32 to vector<16xi32>
    %sign3A_105 = arith.cmpi sgt, %add3A_99, %sign3A_104 : vector<16xi32>
    %sign3A_106 = arith.extui %sign3A_105 : vector<16xi1> to vector<16xi32>
    %sign3A_107 = arith.constant 0 : i32
    %sign3A_108 = vector.broadcast %sign3A_107 : i32 to vector<16xi32>
    %sign3A_109 = arith.cmpi slt, %add3A_99, %sign3A_108 : vector<16xi32>
    %sign3A_110 = arith.extui %sign3A_109 : vector<16xi1> to vector<16xi32>
    %sign3A_111 = arith.subi %sign3A_106, %sign3A_110 : vector<16xi32>
    %sign3A_112 = arith.constant 0 : i32
    %sign3A_113 = arith.cmpi sgt, %jit3A_100, %sign3A_112 : i32
    %sign3A_114 = arith.extui %sign3A_113 : i1 to i32
    %sign3A_115 = arith.constant 0 : i32
    %sign3A_116 = arith.cmpi slt, %jit3A_100, %sign3A_115 : i32
    %sign3A_117 = arith.extui %sign3A_116 : i1 to i32
    %sign3A_118 = arith.subi %sign3A_114, %sign3A_117 : i32
    %ne3A_119 = vector.broadcast %sign3A_118 : i32 to vector<16xi32>
    %ne3A_120 = arith.cmpi ne, %sign3A_111, %ne3A_119 : vector<16xi32>
    %rem3A_121 = vector.broadcast %jit3A_100 : i32 to vector<16xi32>
    %rem3A_122 = arith.remsi %add3A_99, %rem3A_121 : vector<16xi32>
    %ne3A_123 = arith.constant 0 : i32
    %ne3A_124 = vector.broadcast %ne3A_123 : i32 to vector<16xi32>
    %ne3A_125 = arith.cmpi ne, %rem3A_122, %ne3A_124 : vector<16xi32>
    %and3A_126 = arith.andi %ne3A_120, %ne3A_125 : vector<16xi1>
    %sub3A_127 = arith.constant 1 : i32
    %sub3A_128 = vector.broadcast %sub3A_127 : i32 to vector<16xi32>
    %sub3A_129 = arith.subi %div3A_102, %sub3A_128 : vector<16xi32>
    %select_n3A_130 = arith.select %and3A_126, %sub3A_129, %div3A_102 : vector<16xi1>, vector<16xi32>
    %add3A_131 = arith.constant 0 : i32
    %add3A_132 = vector.broadcast %add3A_131 : i32 to vector<16xi32>
    %add3A_133 = arith.addi %add3A_132, %iota3A : vector<16xi32>
    %jit3A_134 = arith.constant 8 : i32
    %eq3A = arith.constant 0 : i32
    %eq3A_135 = arith.cmpi eq, %jit3A_134, %eq3A : i32
    %jit3A_136 = arith.constant 1 : i32
    %select_n3A_137 = arith.select %eq3A_135, %jit3A_136, %jit3A_134 : i32
    %rem3A_138 = vector.broadcast %select_n3A_137 : i32 to vector<16xi32>
    %rem3A_139 = arith.remsi %add3A_133, %rem3A_138 : vector<16xi32>
    %ne3A_140 = arith.constant 0 : i32
    %ne3A_141 = vector.broadcast %ne3A_140 : i32 to vector<16xi32>
    %ne3A_142 = arith.cmpi ne, %rem3A_139, %ne3A_141 : vector<16xi32>
    %lt3A = arith.constant 0 : i32
    %lt3A_143 = vector.broadcast %lt3A : i32 to vector<16xi32>
    %lt3A_144 = arith.cmpi slt, %rem3A_139, %lt3A_143 : vector<16xi32>
    %lt3A_145 = arith.constant 0 : i32
    %lt3A_146 = arith.cmpi slt, %select_n3A_137, %lt3A_145 : i32
    %ne3A_147 = vector.broadcast %lt3A_146 : i1 to vector<16xi1>
    %ne3A_148 = vector.broadcast %ne3A_147 : vector<16xi1> to vector<16xi1>
    %ne3A_149 = arith.xori %lt3A_144, %ne3A_148 : vector<16xi1>
    %and3A_150 = arith.andi %ne3A_149, %ne3A_142 : vector<16xi1>
    %add3A_151 = vector.broadcast %select_n3A_137 : i32 to vector<16xi32>
    %add3A_152 = arith.addi %rem3A_139, %add3A_151 : vector<16xi32>
    %select_n3A_153 = arith.select %and3A_150, %add3A_152, %rem3A_139 : vector<16xi1>, vector<16xi32>
    %add3A_154 = arith.constant 16 : i32
    %add3A_155 = vector.broadcast %add3A_154 : i32 to vector<16xi32>
    %add3A_156 = arith.addi %add3A_155, %iota3A : vector<16xi32>
    %jit3A_157 = arith.constant 8 : i32
    %eq3A_158 = arith.constant 0 : i32
    %eq3A_159 = arith.cmpi eq, %jit3A_157, %eq3A_158 : i32
    %jit3A_160 = arith.constant 1 : i32
    %select_n3A_161 = arith.select %eq3A_159, %jit3A_160, %jit3A_157 : i32
    %rem3A_162 = vector.broadcast %select_n3A_161 : i32 to vector<16xi32>
    %rem3A_163 = arith.remsi %add3A_156, %rem3A_162 : vector<16xi32>
    %ne3A_164 = arith.constant 0 : i32
    %ne3A_165 = vector.broadcast %ne3A_164 : i32 to vector<16xi32>
    %ne3A_166 = arith.cmpi ne, %rem3A_163, %ne3A_165 : vector<16xi32>
    %lt3A_167 = arith.constant 0 : i32
    %lt3A_168 = vector.broadcast %lt3A_167 : i32 to vector<16xi32>
    %lt3A_169 = arith.cmpi slt, %rem3A_163, %lt3A_168 : vector<16xi32>
    %lt3A_170 = arith.constant 0 : i32
    %lt3A_171 = arith.cmpi slt, %select_n3A_161, %lt3A_170 : i32
    %ne3A_172 = vector.broadcast %lt3A_171 : i1 to vector<16xi1>
    %ne3A_173 = vector.broadcast %ne3A_172 : vector<16xi1> to vector<16xi1>
    %ne3A_174 = arith.xori %lt3A_169, %ne3A_173 : vector<16xi1>
    %and3A_175 = arith.andi %ne3A_174, %ne3A_166 : vector<16xi1>
    %add3A_176 = vector.broadcast %select_n3A_161 : i32 to vector<16xi32>
    %add3A_177 = arith.addi %rem3A_163, %add3A_176 : vector<16xi32>
    %select_n3A_178 = arith.select %and3A_175, %add3A_177, %rem3A_163 : vector<16xi1>, vector<16xi32>
    %add3A_179 = arith.constant 32 : i32
    %add3A_180 = vector.broadcast %add3A_179 : i32 to vector<16xi32>
    %add3A_181 = arith.addi %add3A_180, %iota3A : vector<16xi32>
    %jit3A_182 = arith.constant 8 : i32
    %eq3A_183 = arith.constant 0 : i32
    %eq3A_184 = arith.cmpi eq, %jit3A_182, %eq3A_183 : i32
    %jit3A_185 = arith.constant 1 : i32
    %select_n3A_186 = arith.select %eq3A_184, %jit3A_185, %jit3A_182 : i32
    %rem3A_187 = vector.broadcast %select_n3A_186 : i32 to vector<16xi32>
    %rem3A_188 = arith.remsi %add3A_181, %rem3A_187 : vector<16xi32>
    %ne3A_189 = arith.constant 0 : i32
    %ne3A_190 = vector.broadcast %ne3A_189 : i32 to vector<16xi32>
    %ne3A_191 = arith.cmpi ne, %rem3A_188, %ne3A_190 : vector<16xi32>
    %lt3A_192 = arith.constant 0 : i32
    %lt3A_193 = vector.broadcast %lt3A_192 : i32 to vector<16xi32>
    %lt3A_194 = arith.cmpi slt, %rem3A_188, %lt3A_193 : vector<16xi32>
    %lt3A_195 = arith.constant 0 : i32
    %lt3A_196 = arith.cmpi slt, %select_n3A_186, %lt3A_195 : i32
    %ne3A_197 = vector.broadcast %lt3A_196 : i1 to vector<16xi1>
    %ne3A_198 = vector.broadcast %ne3A_197 : vector<16xi1> to vector<16xi1>
    %ne3A_199 = arith.xori %lt3A_194, %ne3A_198 : vector<16xi1>
    %and3A_200 = arith.andi %ne3A_199, %ne3A_191 : vector<16xi1>
    %add3A_201 = vector.broadcast %select_n3A_186 : i32 to vector<16xi32>
    %add3A_202 = arith.addi %rem3A_188, %add3A_201 : vector<16xi32>
    %select_n3A_203 = arith.select %and3A_200, %add3A_202, %rem3A_188 : vector<16xi1>, vector<16xi32>
    %add3A_204 = arith.constant 48 : i32
    %add3A_205 = vector.broadcast %add3A_204 : i32 to vector<16xi32>
    %add3A_206 = arith.addi %add3A_205, %iota3A : vector<16xi32>
    %jit3A_207 = arith.constant 8 : i32
    %eq3A_208 = arith.constant 0 : i32
    %eq3A_209 = arith.cmpi eq, %jit3A_207, %eq3A_208 : i32
    %jit3A_210 = arith.constant 1 : i32
    %select_n3A_211 = arith.select %eq3A_209, %jit3A_210, %jit3A_207 : i32
    %rem3A_212 = vector.broadcast %select_n3A_211 : i32 to vector<16xi32>
    %rem3A_213 = arith.remsi %add3A_206, %rem3A_212 : vector<16xi32>
    %ne3A_214 = arith.constant 0 : i32
    %ne3A_215 = vector.broadcast %ne3A_214 : i32 to vector<16xi32>
    %ne3A_216 = arith.cmpi ne, %rem3A_213, %ne3A_215 : vector<16xi32>
    %lt3A_217 = arith.constant 0 : i32
    %lt3A_218 = vector.broadcast %lt3A_217 : i32 to vector<16xi32>
    %lt3A_219 = arith.cmpi slt, %rem3A_213, %lt3A_218 : vector<16xi32>
    %lt3A_220 = arith.constant 0 : i32
    %lt3A_221 = arith.cmpi slt, %select_n3A_211, %lt3A_220 : i32
    %ne3A_222 = vector.broadcast %lt3A_221 : i1 to vector<16xi1>
    %ne3A_223 = vector.broadcast %ne3A_222 : vector<16xi1> to vector<16xi1>
    %ne3A_224 = arith.xori %lt3A_219, %ne3A_223 : vector<16xi1>
    %and3A_225 = arith.andi %ne3A_224, %ne3A_216 : vector<16xi1>
    %add3A_226 = vector.broadcast %select_n3A_211 : i32 to vector<16xi32>
    %add3A_227 = arith.addi %rem3A_213, %add3A_226 : vector<16xi32>
    %select_n3A_228 = arith.select %and3A_225, %add3A_227, %rem3A_213 : vector<16xi1>, vector<16xi32>
    %dma_start3A = arith.constant 0 : i32
    %dma_start3A_229 = arith.constant 0 : i32
    %dma_start3A_230 = arith.constant 0 : i32
    %dma_start3A_231 = arith.constant 0 : i32
    %dma_start3A_232 = tpu.memref_slice %arg6[%dma_start3A_229, %dma_start3A_230, %dma_start3A_231] : memref<2x128x64xf32, #tpu.memory_space<vmem>> -> memref<1x128x64xf32, #tpu.memory_space<vmem>>
    %dma_start3A_233 = tpu.memref_squeeze %dma_start3A_232 : memref<1x128x64xf32, #tpu.memory_space<vmem>> -> memref<128x64xf32, #tpu.memory_space<vmem>>
    %dma_start3A_234 = arith.constant 0 : i32
    %dma_start3A_235 = tpu.memref_slice %arg5[%dma_start3A, %dma_start3A_234] : memref<200x128xi32, #tpu.memory_space<vmem>> -> memref<1x128xi32, #tpu.memory_space<vmem>>
    %dma_start3A_236 = tpu.memref_squeeze %dma_start3A_235 : memref<1x128xi32, #tpu.memory_space<vmem>> -> memref<128xi32, #tpu.memory_space<vmem>>
    %dma_start3A_237 = arith.constant 0 : i32
    %dma_start3A_238 = arith.constant 0 : i32
    %dma_start3A_239 = tpu.memref_slice %arg3[%dma_start3A_237, %dma_start3A_238] : memref<1000000x64xf32, #tpu.memory_space<hbm>> -> memref<1000000x64xf32, #tpu.memory_space<hbm>>
    tpu.enqueue_indirect_dma source(%dma_start3A_239 : memref<1000000x64xf32, #tpu.memory_space<hbm>>) target(%dma_start3A_233 : memref<128x64xf32, #tpu.memory_space<vmem>>) offsets(%dma_start3A_236 : memref<128xi32, #tpu.memory_space<vmem>>) semaphore(%arg8 : memref<!tpu.dma_semaphore, #tpu.memory_space<semaphore_mem>>)
    %dma_start3A_240 = arith.constant 1 : i32
    %dma_start3A_241 = arith.constant 1 : i32
    %dma_start3A_242 = arith.constant 0 : i32
    %dma_start3A_243 = arith.constant 0 : i32
    %dma_start3A_244 = tpu.memref_slice %arg6[%dma_start3A_241, %dma_start3A_242, %dma_start3A_243] : memref<2x128x64xf32, #tpu.memory_space<vmem>> -> memref<1x128x64xf32, #tpu.memory_space<vmem>>
    %dma_start3A_245 = tpu.memref_squeeze %dma_start3A_244 : memref<1x128x64xf32, #tpu.memory_space<vmem>> -> memref<128x64xf32, #tpu.memory_space<vmem>>
    %dma_start3A_246 = arith.constant 0 : i32
    %dma_start3A_247 = tpu.memref_slice %arg5[%dma_start3A_240, %dma_start3A_246] : memref<200x128xi32, #tpu.memory_space<vmem>> -> memref<1x128xi32, #tpu.memory_space<vmem>>
    %dma_start3A_248 = tpu.memref_squeeze %dma_start3A_247 : memref<1x128xi32, #tpu.memory_space<vmem>> -> memref<128xi32, #tpu.memory_space<vmem>>
    %dma_start3A_249 = arith.constant 0 : i32
    %dma_start3A_250 = arith.constant 0 : i32
    %dma_start3A_251 = tpu.memref_slice %arg3[%dma_start3A_249, %dma_start3A_250] : memref<1000000x64xf32, #tpu.memory_space<hbm>> -> memref<1000000x64xf32, #tpu.memory_space<hbm>>
    tpu.enqueue_indirect_dma source(%dma_start3A_251 : memref<1000000x64xf32, #tpu.memory_space<hbm>>) target(%dma_start3A_245 : memref<128x64xf32, #tpu.memory_space<vmem>>) offsets(%dma_start3A_248 : memref<128xi32, #tpu.memory_space<vmem>>) semaphore(%arg9 : memref<!tpu.dma_semaphore, #tpu.memory_space<semaphore_mem>>)
    %scan3A = arith.constant 0 : i32
    %scan3A_252 = arith.constant 100 : i32
    %scan3A_253 = arith.addi %scan3A, %scan3A_252 : i32
    %scan3A_254 = arith.constant 1 : i32
    scf.for %scan3A_381 = %scan3A to %scan3A_253 step %scan3A_254  : i32 {
      %mul3A_382 = arith.constant 2 : i32
      %mul3A_383 = arith.muli %scan3A_381, %mul3A_382 : i32
      %add3A_384 = arith.constant 0 : i32
      %add3A_385 = arith.addi %add3A_384, %mul3A_383 : i32
      %add3A_386 = arith.constant 0 : i32
      %add3A_387 = arith.addi %add3A_385, %add3A_386 : i32
      %dma_wait3A_388 = arith.constant 0 : i32
      %dma_wait3A_389 = arith.constant 0 : i32
      %dma_wait3A_390 = arith.constant 0 : i32
      %dma_wait3A_391 = tpu.memref_slice %arg6[%dma_wait3A_388, %dma_wait3A_389, %dma_wait3A_390] : memref<2x128x64xf32, #tpu.memory_space<vmem>> -> memref<1x128x64xf32, #tpu.memory_space<vmem>>
      %dma_wait3A_392 = tpu.memref_squeeze %dma_wait3A_391 : memref<1x128x64xf32, #tpu.memory_space<vmem>> -> memref<128x64xf32, #tpu.memory_space<vmem>>
      %dma_wait3A_393 = arith.constant 0 : i32
      %dma_wait3A_394 = tpu.memref_slice %arg5[%add3A_387, %dma_wait3A_393] : memref<200x128xi32, #tpu.memory_space<vmem>> -> memref<1x128xi32, #tpu.memory_space<vmem>>
      %dma_wait3A_395 = tpu.memref_squeeze %dma_wait3A_394 : memref<1x128xi32, #tpu.memory_space<vmem>> -> memref<128xi32, #tpu.memory_space<vmem>>
      %dma_wait3A_396 = arith.constant 0 : i32
      %dma_wait3A_397 = arith.constant 0 : i32
      %dma_wait3A_398 = tpu.memref_slice %arg3[%dma_wait3A_396, %dma_wait3A_397] : memref<1000000x64xf32, #tpu.memory_space<hbm>> -> memref<1000000x64xf32, #tpu.memory_space<hbm>>
      tpu.wait_indirect_dma semaphore(%arg8 : memref<!tpu.dma_semaphore, #tpu.memory_space<semaphore_mem>>) src(%dma_wait3A_398 : memref<1000000x64xf32, #tpu.memory_space<hbm>>) dst(%dma_wait3A_392 : memref<128x64xf32, #tpu.memory_space<vmem>>)
      %gt3A = arith.constant 0 : i32
      %gt3A_399 = arith.cmpi sgt, %add3A_385, %gt3A : i32
      %convert_element_type3A = arith.extui %gt3A_399 : i1 to i32
      %cond3A = arith.constant 0 : i32
      %cond3A_400 = arith.cmpi ne, %convert_element_type3A, %cond3A : i32
      scf.if %cond3A_400 {
        %sub3A_565 = arith.constant 2 : i32
        %sub3A_566 = arith.subi %add3A_387, %sub3A_565 : i32
        %add3A_567 = arith.addi %mul3A_2, %sub3A_566 : i32
        %jit3A_568 = arith.constant 128 : i32
        %div3A_569 = arith.divsi %add3A_567, %jit3A_568 : i32
        %sign3A_570 = arith.constant 0 : i32
        %sign3A_571 = arith.cmpi sgt, %add3A_567, %sign3A_570 : i32
        %sign3A_572 = arith.extui %sign3A_571 : i1 to i32
        %sign3A_573 = arith.constant 0 : i32
        %sign3A_574 = arith.cmpi slt, %add3A_567, %sign3A_573 : i32
        %sign3A_575 = arith.extui %sign3A_574 : i1 to i32
        %sign3A_576 = arith.subi %sign3A_572, %sign3A_575 : i32
        %sign3A_577 = arith.constant 0 : i32
        %sign3A_578 = arith.cmpi sgt, %jit3A_568, %sign3A_577 : i32
        %sign3A_579 = arith.extui %sign3A_578 : i1 to i32
        %sign3A_580 = arith.constant 0 : i32
        %sign3A_581 = arith.cmpi slt, %jit3A_568, %sign3A_580 : i32
        %sign3A_582 = arith.extui %sign3A_581 : i1 to i32
        %sign3A_583 = arith.subi %sign3A_579, %sign3A_582 : i32
        %ne3A_584 = arith.cmpi ne, %sign3A_576, %sign3A_583 : i32
        %rem3A_585 = arith.remsi %add3A_567, %jit3A_568 : i32
        %ne3A_586 = arith.constant 0 : i32
        %ne3A_587 = arith.cmpi ne, %rem3A_585, %ne3A_586 : i32
        %and3A_588 = arith.andi %ne3A_584, %ne3A_587 : i1
        %sub3A_589 = arith.constant 1 : i32
        %sub3A_590 = arith.subi %div3A_569, %sub3A_589 : i32
        %select_n3A_591 = arith.select %and3A_588, %sub3A_590, %div3A_569 : i32
        %jit3A_592 = arith.constant 128 : i32
        %eq3A_593 = arith.constant 0 : i32
        %eq3A_594 = arith.cmpi eq, %jit3A_592, %eq3A_593 : i32
        %jit3A_595 = arith.constant 1 : i32
        %select_n3A_596 = arith.select %eq3A_594, %jit3A_595, %jit3A_592 : i32
        %rem3A_597 = arith.remsi %add3A_567, %select_n3A_596 : i32
        %ne3A_598 = arith.constant 0 : i32
        %ne3A_599 = arith.cmpi ne, %rem3A_597, %ne3A_598 : i32
        %lt3A_600 = arith.constant 0 : i32
        %lt3A_601 = arith.cmpi slt, %rem3A_597, %lt3A_600 : i32
        %lt3A_602 = arith.constant 0 : i32
        %lt3A_603 = arith.cmpi slt, %select_n3A_596, %lt3A_602 : i32
        %ne3A_604 = arith.xori %lt3A_601, %lt3A_603 : i1
        %and3A_605 = arith.andi %ne3A_604, %ne3A_599 : i1
        %add3A_606 = arith.addi %rem3A_597, %select_n3A_596 : i32
        %select_n3A_607 = arith.select %and3A_605, %add3A_606, %rem3A_597 : i32
        %dma_wait3A_608 = arith.constant 0 : i32
        %dma_wait3A_609 = arith.constant 0 : i32
        %dma_wait3A_610 = arith.constant 0 : i32
        %dma_wait3A_611 = arith.constant 0 : i32
        %dma_wait3A_612 = tpu.memref_slice %arg7[%dma_wait3A_608, %dma_wait3A_609, %dma_wait3A_610, %dma_wait3A_611] : memref<2x8x8x129xf32, #tpu.memory_space<vmem>> -> memref<1x8x8x128xf32, #tpu.memory_space<vmem>>
        %dma_wait3A_613 = tpu.memref_squeeze %dma_wait3A_612 : memref<1x8x8x128xf32, #tpu.memory_space<vmem>> -> memref<8x8x128xf32, #tpu.memory_space<vmem>>
        %dma_wait3A_614 = arith.constant 0 : i32
        %dma_wait3A_615 = arith.constant 0 : i32
        %dma_wait3A_616 = arith.constant 0 : i32
        %dma_wait3A_617 = tpu.memref_slice %arg4[%select_n3A_591, %dma_wait3A_614, %select_n3A_607, %dma_wait3A_615, %dma_wait3A_616] : memref<50x8x128x8x128xf32, #tpu.memory_space<hbm>> -> memref<1x8x1x8x128xf32, #tpu.memory_space<hbm>>
        %dma_wait3A_618 = tpu.memref_squeeze %dma_wait3A_617 : memref<1x8x1x8x128xf32, #tpu.memory_space<hbm>> -> memref<8x8x128xf32, #tpu.memory_space<hbm>>
        %dma_wait3A_619 = arith.constant 0 : i32
        %dma_wait3A_620 = arith.constant 0 : i32
        %dma_wait3A_621 = arith.constant 0 : i32
        %dma_wait3A_622 = tpu.memref_slice %arg4[%select_n3A_591, %dma_wait3A_619, %select_n3A_607, %dma_wait3A_620, %dma_wait3A_621] : memref<50x8x128x8x128xf32, #tpu.memory_space<hbm>> -> memref<1x8x1x8x128xf32, #tpu.memory_space<hbm>>
        %dma_wait3A_623 = tpu.memref_squeeze %dma_wait3A_622 : memref<1x8x1x8x128xf32, #tpu.memory_space<hbm>> -> memref<8x8x128xf32, #tpu.memory_space<hbm>>
        %dma_wait3A_624 = arith.constant 0 : i32
        %dma_wait3A_625 = arith.constant 0 : i32
        %dma_wait3A_626 = arith.constant 0 : i32
        %dma_wait3A_627 = tpu.memref_slice %arg7[%dma_wait3A_608, %dma_wait3A_624, %dma_wait3A_625, %dma_wait3A_626] : memref<2x8x8x129xf32, #tpu.memory_space<vmem>> -> memref<1x8x8x128xf32, #tpu.memory_space<vmem>>
        %dma_wait3A_628 = tpu.memref_squeeze %dma_wait3A_627 : memref<1x8x8x128xf32, #tpu.memory_space<vmem>> -> memref<8x8x128xf32, #tpu.memory_space<vmem>>
        tpu.wait_dma2 semaphore(%arg10 : memref<!tpu.dma_semaphore, #tpu.memory_space<semaphore_mem>>) src(%dma_wait3A_628 : memref<8x8x128xf32, #tpu.memory_space<vmem>>) dst(%dma_wait3A_623 : memref<8x8x128xf32, #tpu.memory_space<hbm>>)
      } else {
      }
      %broadcast_in_dim3A = arith.constant 0 : i32
      %broadcast_in_dim3A_401 = vector.broadcast %broadcast_in_dim3A : i32 to vector<16xi32>
      %parallel_loop3A = arith.constant 0 : i32
      %parallel_loop3A_402 = arith.constant 128 : i32
      %parallel_loop3A_403 = arith.constant 1 : i32
      scf.for %parallel_loop3A_565 = %parallel_loop3A to %parallel_loop3A_402 step %parallel_loop3A_403  : i32 {
        %parallel_loop3A_566 = vector.broadcast %parallel_loop3A_565 : i32 to vector<16xi32>
        %parallel_loop3A_567 = arith.constant 0 : i32
        %parallel_loop3A_568 = arith.index_cast %parallel_loop3A_567 : i32 to index
        %parallel_loop3A_569 = arith.index_cast %parallel_loop3A_565 : i32 to index
        %parallel_loop3A_570 = arith.constant 0 : index
        %parallel_loop3A_571 = tpu.vector_load %arg6[%parallel_loop3A_568, %parallel_loop3A_569, %parallel_loop3A_570] {strides = array<i32>} : memref<2x128x64xf32, #tpu.memory_space<vmem>>, vector<16xf32>,
        tpu.vector_store_idx %arg7[%broadcast_in_dim3A_401, %select_n3A, %select_n3A_153, %parallel_loop3A_566], %parallel_loop3A_571 : memref<2x8x8x129xf32, #tpu.memory_space<vmem>>[vector<16xi32>, vector<16xi32>, vector<16xi32>, vector<16xi32>], vector<16xf32>,
        %parallel_loop3A_572 = arith.constant 0 : i32
        %parallel_loop3A_573 = arith.index_cast %parallel_loop3A_572 : i32 to index
        %parallel_loop3A_574 = arith.index_cast %parallel_loop3A_565 : i32 to index
        %parallel_loop3A_575 = arith.constant 16 : index
        %parallel_loop3A_576 = tpu.vector_load %arg6[%parallel_loop3A_573, %parallel_loop3A_574, %parallel_loop3A_575] {strides = array<i32>} : memref<2x128x64xf32, #tpu.memory_space<vmem>>, vector<16xf32>,
        tpu.vector_store_idx %arg7[%broadcast_in_dim3A_401, %select_n3A_62, %select_n3A_178, %parallel_loop3A_566], %parallel_loop3A_576 : memref<2x8x8x129xf32, #tpu.memory_space<vmem>>[vector<16xi32>, vector<16xi32>, vector<16xi32>, vector<16xi32>], vector<16xf32>,
        %parallel_loop3A_577 = arith.constant 0 : i32
        %parallel_loop3A_578 = arith.index_cast %parallel_loop3A_577 : i32 to index
        %parallel_loop3A_579 = arith.index_cast %parallel_loop3A_565 : i32 to index
        %parallel_loop3A_580 = arith.constant 32 : index
        %parallel_loop3A_581 = tpu.vector_load %arg6[%parallel_loop3A_578, %parallel_loop3A_579, %parallel_loop3A_580] {strides = array<i32>} : memref<2x128x64xf32, #tpu.memory_space<vmem>>, vector<16xf32>,
        tpu.vector_store_idx %arg7[%broadcast_in_dim3A_401, %select_n3A_96, %select_n3A_203, %parallel_loop3A_566], %parallel_loop3A_581 : memref<2x8x8x129xf32, #tpu.memory_space<vmem>>[vector<16xi32>, vector<16xi32>, vector<16xi32>, vector<16xi32>], vector<16xf32>,
        %parallel_loop3A_582 = arith.constant 0 : i32
        %parallel_loop3A_583 = arith.index_cast %parallel_loop3A_582 : i32 to index
        %parallel_loop3A_584 = arith.index_cast %parallel_loop3A_565 : i32 to index
        %parallel_loop3A_585 = arith.constant 48 : index
        %parallel_loop3A_586 = tpu.vector_load %arg6[%parallel_loop3A_583, %parallel_loop3A_584, %parallel_loop3A_585] {strides = array<i32>} : memref<2x128x64xf32, #tpu.memory_space<vmem>>, vector<16xf32>,
        tpu.vector_store_idx %arg7[%broadcast_in_dim3A_401, %select_n3A_130, %select_n3A_228, %parallel_loop3A_566], %parallel_loop3A_586 : memref<2x8x8x129xf32, #tpu.memory_space<vmem>>[vector<16xi32>, vector<16xi32>, vector<16xi32>, vector<16xi32>], vector<16xf32>,
      } {sc.loop_unroll_factor = 4 : i64, sc.parallel_access}
      %add3A_404 = arith.addi %mul3A_2, %add3A_387 : i32
      %jit3A_405 = arith.constant 128 : i32
      %div3A_406 = arith.divsi %add3A_404, %jit3A_405 : i32
      %sign3A_407 = arith.constant 0 : i32
      %sign3A_408 = arith.cmpi sgt, %add3A_404, %sign3A_407 : i32
      %sign3A_409 = arith.extui %sign3A_408 : i1 to i32
      %sign3A_410 = arith.constant 0 : i32
      %sign3A_411 = arith.cmpi slt, %add3A_404, %sign3A_410 : i32
      %sign3A_412 = arith.extui %sign3A_411 : i1 to i32
      %sign3A_413 = arith.subi %sign3A_409, %sign3A_412 : i32
      %sign3A_414 = arith.constant 0 : i32
      %sign3A_415 = arith.cmpi sgt, %jit3A_405, %sign3A_414 : i32
      %sign3A_416 = arith.extui %sign3A_415 : i1 to i32
      %sign3A_417 = arith.constant 0 : i32
      %sign3A_418 = arith.cmpi slt, %jit3A_405, %sign3A_417 : i32
      %sign3A_419 = arith.extui %sign3A_418 : i1 to i32
      %sign3A_420 = arith.subi %sign3A_416, %sign3A_419 : i32
      %ne3A_421 = arith.cmpi ne, %sign3A_413, %sign3A_420 : i32
      %rem3A_422 = arith.remsi %add3A_404, %jit3A_405 : i32
      %ne3A_423 = arith.constant 0 : i32
      %ne3A_424 = arith.cmpi ne, %rem3A_422, %ne3A_423 : i32
      %and3A_425 = arith.andi %ne3A_421, %ne3A_424 : i1
      %sub3A_426 = arith.constant 1 : i32
      %sub3A_427 = arith.subi %div3A_406, %sub3A_426 : i32
      %select_n3A_428 = arith.select %and3A_425, %sub3A_427, %div3A_406 : i32
      %jit3A_429 = arith.constant 128 : i32
      %eq3A_430 = arith.constant 0 : i32
      %eq3A_431 = arith.cmpi eq, %jit3A_429, %eq3A_430 : i32
      %jit3A_432 = arith.constant 1 : i32
      %select_n3A_433 = arith.select %eq3A_431, %jit3A_432, %jit3A_429 : i32
      %rem3A_434 = arith.remsi %add3A_404, %select_n3A_433 : i32
      %ne3A_435 = arith.constant 0 : i32
      %ne3A_436 = arith.cmpi ne, %rem3A_434, %ne3A_435 : i32
      %lt3A_437 = arith.constant 0 : i32
      %lt3A_438 = arith.cmpi slt, %rem3A_434, %lt3A_437 : i32
      %lt3A_439 = arith.constant 0 : i32
      %lt3A_440 = arith.cmpi slt, %select_n3A_433, %lt3A_439 : i32
      %ne3A_441 = arith.xori %lt3A_438, %lt3A_440 : i1
      %and3A_442 = arith.andi %ne3A_441, %ne3A_436 : i1
      %add3A_443 = arith.addi %rem3A_434, %select_n3A_433 : i32
      %select_n3A_444 = arith.select %and3A_442, %add3A_443, %rem3A_434 : i32
      %dma_start3A_445 = arith.constant 0 : i32
      %dma_start3A_446 = arith.constant 0 : i32
      %dma_start3A_447 = arith.constant 0 : i32
      %dma_start3A_448 = arith.constant 0 : i32
      %dma_start3A_449 = tpu.memref_slice %arg7[%dma_start3A_445, %dma_start3A_446, %dma_start3A_447, %dma_start3A_448] : memref<2x8x8x129xf32, #tpu.memory_space<vmem>> -> memref<1x8x8x128xf32, #tpu.memory_space<vmem>>
      %dma_start3A_450 = tpu.memref_squeeze %dma_start3A_449 : memref<1x8x8x128xf32, #tpu.memory_space<vmem>> -> memref<8x8x128xf32, #tpu.memory_space<vmem>>
      %dma_start3A_451 = arith.constant 0 : i32
      %dma_start3A_452 = arith.constant 0 : i32
      %dma_start3A_453 = arith.constant 0 : i32
      %dma_start3A_454 = tpu.memref_slice %arg4[%select_n3A_428, %dma_start3A_451, %select_n3A_444, %dma_start3A_452, %dma_start3A_453] : memref<50x8x128x8x128xf32, #tpu.memory_space<hbm>> -> memref<1x8x1x8x128xf32, #tpu.memory_space<hbm>>
      %dma_start3A_455 = tpu.memref_squeeze %dma_start3A_454 : memref<1x8x1x8x128xf32, #tpu.memory_space<hbm>> -> memref<8x8x128xf32, #tpu.memory_space<hbm>>
      %dma_start3A_456 = arith.constant 0 : i32
      %dma_start3A_457 = arith.constant 0 : i32
      %dma_start3A_458 = arith.constant 0 : i32
      %dma_start3A_459 = tpu.memref_slice %arg4[%select_n3A_428, %dma_start3A_456, %select_n3A_444, %dma_start3A_457, %dma_start3A_458] : memref<50x8x128x8x128xf32, #tpu.memory_space<hbm>> -> memref<1x8x1x8x128xf32, #tpu.memory_space<hbm>>
      %dma_start3A_460 = tpu.memref_squeeze %dma_start3A_459 : memref<1x8x1x8x128xf32, #tpu.memory_space<hbm>> -> memref<8x8x128xf32, #tpu.memory_space<hbm>>
      %dma_start3A_461 = arith.constant 0 : i32
      %dma_start3A_462 = arith.constant 0 : i32
      %dma_start3A_463 = arith.constant 0 : i32
      %dma_start3A_464 = tpu.memref_slice %arg7[%dma_start3A_445, %dma_start3A_461, %dma_start3A_462, %dma_start3A_463] : memref<2x8x8x129xf32, #tpu.memory_space<vmem>> -> memref<1x8x8x128xf32, #tpu.memory_space<vmem>>
      %dma_start3A_465 = tpu.memref_squeeze %dma_start3A_464 : memref<1x8x8x128xf32, #tpu.memory_space<vmem>> -> memref<8x8x128xf32, #tpu.memory_space<vmem>>
      tpu.enqueue_dma source(%dma_start3A_465 : memref<8x8x128xf32, #tpu.memory_space<vmem>>) target(%dma_start3A_460 : memref<8x8x128xf32, #tpu.memory_space<hbm>>) target_semaphore(%arg10 : memref<!tpu.dma_semaphore, #tpu.memory_space<semaphore_mem>>)
      %add3A_466 = arith.constant 2 : i32
      %add3A_467 = arith.addi %add3A_387, %add3A_466 : i32
      %lt3A_468 = arith.constant 200 : i32
      %lt3A_469 = arith.cmpi slt, %add3A_467, %lt3A_468 : i32
      %convert_element_type3A_470 = arith.extui %lt3A_469 : i1 to i32
      %cond3A_471 = arith.constant 0 : i32
      %cond3A_472 = arith.cmpi ne, %convert_element_type3A_470, %cond3A_471 : i32
      scf.if %cond3A_472 {
        %add3A_565 = arith.constant 2 : i32
        %add3A_566 = arith.addi %add3A_387, %add3A_565 : i32
        %dma_start3A_567 = arith.constant 0 : i32
        %dma_start3A_568 = arith.constant 0 : i32
        %dma_start3A_569 = arith.constant 0 : i32
        %dma_start3A_570 = tpu.memref_slice %arg6[%dma_start3A_567, %dma_start3A_568, %dma_start3A_569] : memref<2x128x64xf32, #tpu.memory_space<vmem>> -> memref<1x128x64xf32, #tpu.memory_space<vmem>>
        %dma_start3A_571 = tpu.memref_squeeze %dma_start3A_570 : memref<1x128x64xf32, #tpu.memory_space<vmem>> -> memref<128x64xf32, #tpu.memory_space<vmem>>
        %dma_start3A_572 = arith.constant 0 : i32
        %dma_start3A_573 = tpu.memref_slice %arg5[%add3A_566, %dma_start3A_572] : memref<200x128xi32, #tpu.memory_space<vmem>> -> memref<1x128xi32, #tpu.memory_space<vmem>>
        %dma_start3A_574 = tpu.memref_squeeze %dma_start3A_573 : memref<1x128xi32, #tpu.memory_space<vmem>> -> memref<128xi32, #tpu.memory_space<vmem>>
        %dma_start3A_575 = arith.constant 0 : i32
        %dma_start3A_576 = arith.constant 0 : i32
        %dma_start3A_577 = tpu.memref_slice %arg3[%dma_start3A_575, %dma_start3A_576] : memref<1000000x64xf32, #tpu.memory_space<hbm>> -> memref<1000000x64xf32, #tpu.memory_space<hbm>>
        tpu.enqueue_indirect_dma source(%dma_start3A_577 : memref<1000000x64xf32, #tpu.memory_space<hbm>>) target(%dma_start3A_571 : memref<128x64xf32, #tpu.memory_space<vmem>>) offsets(%dma_start3A_574 : memref<128xi32, #tpu.memory_space<vmem>>) semaphore(%arg8 : memref<!tpu.dma_semaphore, #tpu.memory_space<semaphore_mem>>)
      } else {
      }
      %add3A_473 = arith.constant 1 : i32
      %add3A_474 = arith.addi %add3A_385, %add3A_473 : i32
      %dma_wait3A_475 = arith.constant 1 : i32
      %dma_wait3A_476 = arith.constant 0 : i32
      %dma_wait3A_477 = arith.constant 0 : i32
      %dma_wait3A_478 = tpu.memref_slice %arg6[%dma_wait3A_475, %dma_wait3A_476, %dma_wait3A_477] : memref<2x128x64xf32, #tpu.memory_space<vmem>> -> memref<1x128x64xf32, #tpu.memory_space<vmem>>
      %dma_wait3A_479 = tpu.memref_squeeze %dma_wait3A_478 : memref<1x128x64xf32, #tpu.memory_space<vmem>> -> memref<128x64xf32, #tpu.memory_space<vmem>>
      %dma_wait3A_480 = arith.constant 0 : i32
      %dma_wait3A_481 = tpu.memref_slice %arg5[%add3A_474, %dma_wait3A_480] : memref<200x128xi32, #tpu.memory_space<vmem>> -> memref<1x128xi32, #tpu.memory_space<vmem>>
      %dma_wait3A_482 = tpu.memref_squeeze %dma_wait3A_481 : memref<1x128xi32, #tpu.memory_space<vmem>> -> memref<128xi32, #tpu.memory_space<vmem>>
      %dma_wait3A_483 = arith.constant 0 : i32
      %dma_wait3A_484 = arith.constant 0 : i32
      %dma_wait3A_485 = tpu.memref_slice %arg3[%dma_wait3A_483, %dma_wait3A_484] : memref<1000000x64xf32, #tpu.memory_space<hbm>> -> memref<1000000x64xf32, #tpu.memory_space<hbm>>
      tpu.wait_indirect_dma semaphore(%arg9 : memref<!tpu.dma_semaphore, #tpu.memory_space<semaphore_mem>>) src(%dma_wait3A_485 : memref<1000000x64xf32, #tpu.memory_space<hbm>>) dst(%dma_wait3A_479 : memref<128x64xf32, #tpu.memory_space<vmem>>)
      %gt3A_486 = arith.constant 0 : i32
      %gt3A_487 = arith.cmpi sgt, %add3A_385, %gt3A_486 : i32
      %convert_element_type3A_488 = arith.extui %gt3A_487 : i1 to i32
      %cond3A_489 = arith.constant 0 : i32
      %cond3A_490 = arith.cmpi ne, %convert_element_type3A_488, %cond3A_489 : i32
      scf.if %cond3A_490 {
        %sub3A_565 = arith.constant 2 : i32
        %sub3A_566 = arith.subi %add3A_474, %sub3A_565 : i32
        %add3A_567 = arith.addi %mul3A_2, %sub3A_566 : i32
        %jit3A_568 = arith.constant 128 : i32
        %div3A_569 = arith.divsi %add3A_567, %jit3A_568 : i32
        %sign3A_570 = arith.constant 0 : i32
        %sign3A_571 = arith.cmpi sgt, %add3A_567, %sign3A_570 : i32
        %sign3A_572 = arith.extui %sign3A_571 : i1 to i32
        %sign3A_573 = arith.constant 0 : i32
        %sign3A_574 = arith.cmpi slt, %add3A_567, %sign3A_573 : i32
        %sign3A_575 = arith.extui %sign3A_574 : i1 to i32
        %sign3A_576 = arith.subi %sign3A_572, %sign3A_575 : i32
        %sign3A_577 = arith.constant 0 : i32
        %sign3A_578 = arith.cmpi sgt, %jit3A_568, %sign3A_577 : i32
        %sign3A_579 = arith.extui %sign3A_578 : i1 to i32
        %sign3A_580 = arith.constant 0 : i32
        %sign3A_581 = arith.cmpi slt, %jit3A_568, %sign3A_580 : i32
        %sign3A_582 = arith.extui %sign3A_581 : i1 to i32
        %sign3A_583 = arith.subi %sign3A_579, %sign3A_582 : i32
        %ne3A_584 = arith.cmpi ne, %sign3A_576, %sign3A_583 : i32
        %rem3A_585 = arith.remsi %add3A_567, %jit3A_568 : i32
        %ne3A_586 = arith.constant 0 : i32
        %ne3A_587 = arith.cmpi ne, %rem3A_585, %ne3A_586 : i32
        %and3A_588 = arith.andi %ne3A_584, %ne3A_587 : i1
        %sub3A_589 = arith.constant 1 : i32
        %sub3A_590 = arith.subi %div3A_569, %sub3A_589 : i32
        %select_n3A_591 = arith.select %and3A_588, %sub3A_590, %div3A_569 : i32
        %jit3A_592 = arith.constant 128 : i32
        %eq3A_593 = arith.constant 0 : i32
        %eq3A_594 = arith.cmpi eq, %jit3A_592, %eq3A_593 : i32
        %jit3A_595 = arith.constant 1 : i32
        %select_n3A_596 = arith.select %eq3A_594, %jit3A_595, %jit3A_592 : i32
        %rem3A_597 = arith.remsi %add3A_567, %select_n3A_596 : i32
        %ne3A_598 = arith.constant 0 : i32
        %ne3A_599 = arith.cmpi ne, %rem3A_597, %ne3A_598 : i32
        %lt3A_600 = arith.constant 0 : i32
        %lt3A_601 = arith.cmpi slt, %rem3A_597, %lt3A_600 : i32
        %lt3A_602 = arith.constant 0 : i32
        %lt3A_603 = arith.cmpi slt, %select_n3A_596, %lt3A_602 : i32
        %ne3A_604 = arith.xori %lt3A_601, %lt3A_603 : i1
        %and3A_605 = arith.andi %ne3A_604, %ne3A_599 : i1
        %add3A_606 = arith.addi %rem3A_597, %select_n3A_596 : i32
        %select_n3A_607 = arith.select %and3A_605, %add3A_606, %rem3A_597 : i32
        %dma_wait3A_608 = arith.constant 1 : i32
        %dma_wait3A_609 = arith.constant 0 : i32
        %dma_wait3A_610 = arith.constant 0 : i32
        %dma_wait3A_611 = arith.constant 0 : i32
        %dma_wait3A_612 = tpu.memref_slice %arg7[%dma_wait3A_608, %dma_wait3A_609, %dma_wait3A_610, %dma_wait3A_611] : memref<2x8x8x129xf32, #tpu.memory_space<vmem>> -> memref<1x8x8x128xf32, #tpu.memory_space<vmem>>
        %dma_wait3A_613 = tpu.memref_squeeze %dma_wait3A_612 : memref<1x8x8x128xf32, #tpu.memory_space<vmem>> -> memref<8x8x128xf32, #tpu.memory_space<vmem>>
        %dma_wait3A_614 = arith.constant 0 : i32
        %dma_wait3A_615 = arith.constant 0 : i32
        %dma_wait3A_616 = arith.constant 0 : i32
        %dma_wait3A_617 = tpu.memref_slice %arg4[%select_n3A_591, %dma_wait3A_614, %select_n3A_607, %dma_wait3A_615, %dma_wait3A_616] : memref<50x8x128x8x128xf32, #tpu.memory_space<hbm>> -> memref<1x8x1x8x128xf32, #tpu.memory_space<hbm>>
        %dma_wait3A_618 = tpu.memref_squeeze %dma_wait3A_617 : memref<1x8x1x8x128xf32, #tpu.memory_space<hbm>> -> memref<8x8x128xf32, #tpu.memory_space<hbm>>
        %dma_wait3A_619 = arith.constant 0 : i32
        %dma_wait3A_620 = arith.constant 0 : i32
        %dma_wait3A_621 = arith.constant 0 : i32
        %dma_wait3A_622 = tpu.memref_slice %arg4[%select_n3A_591, %dma_wait3A_619, %select_n3A_607, %dma_wait3A_620, %dma_wait3A_621] : memref<50x8x128x8x128xf32, #tpu.memory_space<hbm>> -> memref<1x8x1x8x128xf32, #tpu.memory_space<hbm>>
        %dma_wait3A_623 = tpu.memref_squeeze %dma_wait3A_622 : memref<1x8x1x8x128xf32, #tpu.memory_space<hbm>> -> memref<8x8x128xf32, #tpu.memory_space<hbm>>
        %dma_wait3A_624 = arith.constant 0 : i32
        %dma_wait3A_625 = arith.constant 0 : i32
        %dma_wait3A_626 = arith.constant 0 : i32
        %dma_wait3A_627 = tpu.memref_slice %arg7[%dma_wait3A_608, %dma_wait3A_624, %dma_wait3A_625, %dma_wait3A_626] : memref<2x8x8x129xf32, #tpu.memory_space<vmem>> -> memref<1x8x8x128xf32, #tpu.memory_space<vmem>>
        %dma_wait3A_628 = tpu.memref_squeeze %dma_wait3A_627 : memref<1x8x8x128xf32, #tpu.memory_space<vmem>> -> memref<8x8x128xf32, #tpu.memory_space<vmem>>
        tpu.wait_dma2 semaphore(%arg11 : memref<!tpu.dma_semaphore, #tpu.memory_space<semaphore_mem>>) src(%dma_wait3A_628 : memref<8x8x128xf32, #tpu.memory_space<vmem>>) dst(%dma_wait3A_623 : memref<8x8x128xf32, #tpu.memory_space<hbm>>)
      } else {
      }
      %broadcast_in_dim3A_491 = arith.constant 1 : i32
      %broadcast_in_dim3A_492 = vector.broadcast %broadcast_in_dim3A_491 : i32 to vector<16xi32>
      %parallel_loop3A_493 = arith.constant 0 : i32
      %parallel_loop3A_494 = arith.constant 128 : i32
      %parallel_loop3A_495 = arith.constant 1 : i32
      scf.for %parallel_loop3A_565 = %parallel_loop3A_493 to %parallel_loop3A_494 step %parallel_loop3A_495  : i32 {
        %parallel_loop3A_566 = vector.broadcast %parallel_loop3A_565 : i32 to vector<16xi32>
        %parallel_loop3A_567 = arith.constant 1 : i32
        %parallel_loop3A_568 = arith.index_cast %parallel_loop3A_567 : i32 to index
        %parallel_loop3A_569 = arith.index_cast %parallel_loop3A_565 : i32 to index
        %parallel_loop3A_570 = arith.constant 0 : index
        %parallel_loop3A_571 = tpu.vector_load %arg6[%parallel_loop3A_568, %parallel_loop3A_569, %parallel_loop3A_570] {strides = array<i32>} : memref<2x128x64xf32, #tpu.memory_space<vmem>>, vector<16xf32>,
        tpu.vector_store_idx %arg7[%broadcast_in_dim3A_492, %select_n3A, %select_n3A_153, %parallel_loop3A_566], %parallel_loop3A_571 : memref<2x8x8x129xf32, #tpu.memory_space<vmem>>[vector<16xi32>, vector<16xi32>, vector<16xi32>, vector<16xi32>], vector<16xf32>,
        %parallel_loop3A_572 = arith.constant 1 : i32
        %parallel_loop3A_573 = arith.index_cast %parallel_loop3A_572 : i32 to index
        %parallel_loop3A_574 = arith.index_cast %parallel_loop3A_565 : i32 to index
        %parallel_loop3A_575 = arith.constant 16 : index
        %parallel_loop3A_576 = tpu.vector_load %arg6[%parallel_loop3A_573, %parallel_loop3A_574, %parallel_loop3A_575] {strides = array<i32>} : memref<2x128x64xf32, #tpu.memory_space<vmem>>, vector<16xf32>,
        tpu.vector_store_idx %arg7[%broadcast_in_dim3A_492, %select_n3A_62, %select_n3A_178, %parallel_loop3A_566], %parallel_loop3A_576 : memref<2x8x8x129xf32, #tpu.memory_space<vmem>>[vector<16xi32>, vector<16xi32>, vector<16xi32>, vector<16xi32>], vector<16xf32>,
        %parallel_loop3A_577 = arith.constant 1 : i32
        %parallel_loop3A_578 = arith.index_cast %parallel_loop3A_577 : i32 to index
        %parallel_loop3A_579 = arith.index_cast %parallel_loop3A_565 : i32 to index
        %parallel_loop3A_580 = arith.constant 32 : index
        %parallel_loop3A_581 = tpu.vector_load %arg6[%parallel_loop3A_578, %parallel_loop3A_579, %parallel_loop3A_580] {strides = array<i32>} : memref<2x128x64xf32, #tpu.memory_space<vmem>>, vector<16xf32>,
        tpu.vector_store_idx %arg7[%broadcast_in_dim3A_492, %select_n3A_96, %select_n3A_203, %parallel_loop3A_566], %parallel_loop3A_581 : memref<2x8x8x129xf32, #tpu.memory_space<vmem>>[vector<16xi32>, vector<16xi32>, vector<16xi32>, vector<16xi32>], vector<16xf32>,
        %parallel_loop3A_582 = arith.constant 1 : i32
        %parallel_loop3A_583 = arith.index_cast %parallel_loop3A_582 : i32 to index
        %parallel_loop3A_584 = arith.index_cast %parallel_loop3A_565 : i32 to index
        %parallel_loop3A_585 = arith.constant 48 : index
        %parallel_loop3A_586 = tpu.vector_load %arg6[%parallel_loop3A_583, %parallel_loop3A_584, %parallel_loop3A_585] {strides = array<i32>} : memref<2x128x64xf32, #tpu.memory_space<vmem>>, vector<16xf32>,
        tpu.vector_store_idx %arg7[%broadcast_in_dim3A_492, %select_n3A_130, %select_n3A_228, %parallel_loop3A_566], %parallel_loop3A_586 : memref<2x8x8x129xf32, #tpu.memory_space<vmem>>[vector<16xi32>, vector<16xi32>, vector<16xi32>, vector<16xi32>], vector<16xf32>,
      } {sc.loop_unroll_factor = 4 : i64, sc.parallel_access}
      %add3A_496 = arith.addi %mul3A_2, %add3A_474 : i32
      %jit3A_497 = arith.constant 128 : i32
      %div3A_498 = arith.divsi %add3A_496, %jit3A_497 : i32
      %sign3A_499 = arith.constant 0 : i32
      %sign3A_500 = arith.cmpi sgt, %add3A_496, %sign3A_499 : i32
      %sign3A_501 = arith.extui %sign3A_500 : i1 to i32
      %sign3A_502 = arith.constant 0 : i32
      %sign3A_503 = arith.cmpi slt, %add3A_496, %sign3A_502 : i32
      %sign3A_504 = arith.extui %sign3A_503 : i1 to i32
      %sign3A_505 = arith.subi %sign3A_501, %sign3A_504 : i32
      %sign3A_506 = arith.constant 0 : i32
      %sign3A_507 = arith.cmpi sgt, %jit3A_497, %sign3A_506 : i32
      %sign3A_508 = arith.extui %sign3A_507 : i1 to i32
      %sign3A_509 = arith.constant 0 : i32
      %sign3A_510 = arith.cmpi slt, %jit3A_497, %sign3A_509 : i32
      %sign3A_511 = arith.extui %sign3A_510 : i1 to i32
      %sign3A_512 = arith.subi %sign3A_508, %sign3A_511 : i32
      %ne3A_513 = arith.cmpi ne, %sign3A_505, %sign3A_512 : i32
      %rem3A_514 = arith.remsi %add3A_496, %jit3A_497 : i32
      %ne3A_515 = arith.constant 0 : i32
      %ne3A_516 = arith.cmpi ne, %rem3A_514, %ne3A_515 : i32
      %and3A_517 = arith.andi %ne3A_513, %ne3A_516 : i1
      %sub3A_518 = arith.constant 1 : i32
      %sub3A_519 = arith.subi %div3A_498, %sub3A_518 : i32
      %select_n3A_520 = arith.select %and3A_517, %sub3A_519, %div3A_498 : i32
      %jit3A_521 = arith.constant 128 : i32
      %eq3A_522 = arith.constant 0 : i32
      %eq3A_523 = arith.cmpi eq, %jit3A_521, %eq3A_522 : i32
      %jit3A_524 = arith.constant 1 : i32
      %select_n3A_525 = arith.select %eq3A_523, %jit3A_524, %jit3A_521 : i32
      %rem3A_526 = arith.remsi %add3A_496, %select_n3A_525 : i32
      %ne3A_527 = arith.constant 0 : i32
      %ne3A_528 = arith.cmpi ne, %rem3A_526, %ne3A_527 : i32
      %lt3A_529 = arith.constant 0 : i32
      %lt3A_530 = arith.cmpi slt, %rem3A_526, %lt3A_529 : i32
      %lt3A_531 = arith.constant 0 : i32
      %lt3A_532 = arith.cmpi slt, %select_n3A_525, %lt3A_531 : i32
      %ne3A_533 = arith.xori %lt3A_530, %lt3A_532 : i1
      %and3A_534 = arith.andi %ne3A_533, %ne3A_528 : i1
      %add3A_535 = arith.addi %rem3A_526, %select_n3A_525 : i32
      %select_n3A_536 = arith.select %and3A_534, %add3A_535, %rem3A_526 : i32
      %dma_start3A_537 = arith.constant 1 : i32
      %dma_start3A_538 = arith.constant 0 : i32
      %dma_start3A_539 = arith.constant 0 : i32
      %dma_start3A_540 = arith.constant 0 : i32
      %dma_start3A_541 = tpu.memref_slice %arg7[%dma_start3A_537, %dma_start3A_538, %dma_start3A_539, %dma_start3A_540] : memref<2x8x8x129xf32, #tpu.memory_space<vmem>> -> memref<1x8x8x128xf32, #tpu.memory_space<vmem>>
      %dma_start3A_542 = tpu.memref_squeeze %dma_start3A_541 : memref<1x8x8x128xf32, #tpu.memory_space<vmem>> -> memref<8x8x128xf32, #tpu.memory_space<vmem>>
      %dma_start3A_543 = arith.constant 0 : i32
      %dma_start3A_544 = arith.constant 0 : i32
      %dma_start3A_545 = arith.constant 0 : i32
      %dma_start3A_546 = tpu.memref_slice %arg4[%select_n3A_520, %dma_start3A_543, %select_n3A_536, %dma_start3A_544, %dma_start3A_545] : memref<50x8x128x8x128xf32, #tpu.memory_space<hbm>> -> memref<1x8x1x8x128xf32, #tpu.memory_space<hbm>>
      %dma_start3A_547 = tpu.memref_squeeze %dma_start3A_546 : memref<1x8x1x8x128xf32, #tpu.memory_space<hbm>> -> memref<8x8x128xf32, #tpu.memory_space<hbm>>
      %dma_start3A_548 = arith.constant 0 : i32
      %dma_start3A_549 = arith.constant 0 : i32
      %dma_start3A_550 = arith.constant 0 : i32
      %dma_start3A_551 = tpu.memref_slice %arg4[%select_n3A_520, %dma_start3A_548, %select_n3A_536, %dma_start3A_549, %dma_start3A_550] : memref<50x8x128x8x128xf32, #tpu.memory_space<hbm>> -> memref<1x8x1x8x128xf32, #tpu.memory_space<hbm>>
      %dma_start3A_552 = tpu.memref_squeeze %dma_start3A_551 : memref<1x8x1x8x128xf32, #tpu.memory_space<hbm>> -> memref<8x8x128xf32, #tpu.memory_space<hbm>>
      %dma_start3A_553 = arith.constant 0 : i32
      %dma_start3A_554 = arith.constant 0 : i32
      %dma_start3A_555 = arith.constant 0 : i32
      %dma_start3A_556 = tpu.memref_slice %arg7[%dma_start3A_537, %dma_start3A_553, %dma_start3A_554, %dma_start3A_555] : memref<2x8x8x129xf32, #tpu.memory_space<vmem>> -> memref<1x8x8x128xf32, #tpu.memory_space<vmem>>
      %dma_start3A_557 = tpu.memref_squeeze %dma_start3A_556 : memref<1x8x8x128xf32, #tpu.memory_space<vmem>> -> memref<8x8x128xf32, #tpu.memory_space<vmem>>
      tpu.enqueue_dma source(%dma_start3A_557 : memref<8x8x128xf32, #tpu.memory_space<vmem>>) target(%dma_start3A_552 : memref<8x8x128xf32, #tpu.memory_space<hbm>>) target_semaphore(%arg11 : memref<!tpu.dma_semaphore, #tpu.memory_space<semaphore_mem>>)
      %add3A_558 = arith.constant 2 : i32
      %add3A_559 = arith.addi %add3A_474, %add3A_558 : i32
      %lt3A_560 = arith.constant 200 : i32
      %lt3A_561 = arith.cmpi slt, %add3A_559, %lt3A_560 : i32
      %convert_element_type3A_562 = arith.extui %lt3A_561 : i1 to i32
      %cond3A_563 = arith.constant 0 : i32
      %cond3A_564 = arith.cmpi ne, %convert_element_type3A_562, %cond3A_563 : i32
      scf.if %cond3A_564 {
        %add3A_565 = arith.constant 2 : i32
        %add3A_566 = arith.addi %add3A_474, %add3A_565 : i32
        %dma_start3A_567 = arith.constant 1 : i32
        %dma_start3A_568 = arith.constant 0 : i32
        %dma_start3A_569 = arith.constant 0 : i32
        %dma_start3A_570 = tpu.memref_slice %arg6[%dma_start3A_567, %dma_start3A_568, %dma_start3A_569] : memref<2x128x64xf32, #tpu.memory_space<vmem>> -> memref<1x128x64xf32, #tpu.memory_space<vmem>>
        %dma_start3A_571 = tpu.memref_squeeze %dma_start3A_570 : memref<1x128x64xf32, #tpu.memory_space<vmem>> -> memref<128x64xf32, #tpu.memory_space<vmem>>
        %dma_start3A_572 = arith.constant 0 : i32
        %dma_start3A_573 = tpu.memref_slice %arg5[%add3A_566, %dma_start3A_572] : memref<200x128xi32, #tpu.memory_space<vmem>> -> memref<1x128xi32, #tpu.memory_space<vmem>>
        %dma_start3A_574 = tpu.memref_squeeze %dma_start3A_573 : memref<1x128xi32, #tpu.memory_space<vmem>> -> memref<128xi32, #tpu.memory_space<vmem>>
        %dma_start3A_575 = arith.constant 0 : i32
        %dma_start3A_576 = arith.constant 0 : i32
        %dma_start3A_577 = tpu.memref_slice %arg3[%dma_start3A_575, %dma_start3A_576] : memref<1000000x64xf32, #tpu.memory_space<hbm>> -> memref<1000000x64xf32, #tpu.memory_space<hbm>>
        tpu.enqueue_indirect_dma source(%dma_start3A_577 : memref<1000000x64xf32, #tpu.memory_space<hbm>>) target(%dma_start3A_571 : memref<128x64xf32, #tpu.memory_space<vmem>>) offsets(%dma_start3A_574 : memref<128xi32, #tpu.memory_space<vmem>>) semaphore(%arg9 : memref<!tpu.dma_semaphore, #tpu.memory_space<semaphore_mem>>)
      } else {
      }
    }
    %scan3A_255 = arith.constant 100 : i32
    %add3A_256 = arith.constant 198 : i32
    %add3A_257 = arith.addi %mul3A_2, %add3A_256 : i32
    %jit3A_258 = arith.constant 128 : i32
    %div3A_259 = arith.divsi %add3A_257, %jit3A_258 : i32
    %sign3A_260 = arith.constant 0 : i32
    %sign3A_261 = arith.cmpi sgt, %add3A_257, %sign3A_260 : i32
    %sign3A_262 = arith.extui %sign3A_261 : i1 to i32
    %sign3A_263 = arith.constant 0 : i32
    %sign3A_264 = arith.cmpi slt, %add3A_257, %sign3A_263 : i32
    %sign3A_265 = arith.extui %sign3A_264 : i1 to i32
    %sign3A_266 = arith.subi %sign3A_262, %sign3A_265 : i32
    %sign3A_267 = arith.constant 0 : i32
    %sign3A_268 = arith.cmpi sgt, %jit3A_258, %sign3A_267 : i32
    %sign3A_269 = arith.extui %sign3A_268 : i1 to i32
    %sign3A_270 = arith.constant 0 : i32
    %sign3A_271 = arith.cmpi slt, %jit3A_258, %sign3A_270 : i32
    %sign3A_272 = arith.extui %sign3A_271 : i1 to i32
    %sign3A_273 = arith.subi %sign3A_269, %sign3A_272 : i32
    %ne3A_274 = arith.cmpi ne, %sign3A_266, %sign3A_273 : i32
    %rem3A_275 = arith.remsi %add3A_257, %jit3A_258 : i32
    %ne3A_276 = arith.constant 0 : i32
    %ne3A_277 = arith.cmpi ne, %rem3A_275, %ne3A_276 : i32
    %and3A_278 = arith.andi %ne3A_274, %ne3A_277 : i1
    %sub3A_279 = arith.constant 1 : i32
    %sub3A_280 = arith.subi %div3A_259, %sub3A_279 : i32
    %select_n3A_281 = arith.select %and3A_278, %sub3A_280, %div3A_259 : i32
    %jit3A_282 = arith.constant 128 : i32
    %eq3A_283 = arith.constant 0 : i32
    %eq3A_284 = arith.cmpi eq, %jit3A_282, %eq3A_283 : i32
    %jit3A_285 = arith.constant 1 : i32
    %select_n3A_286 = arith.select %eq3A_284, %jit3A_285, %jit3A_282 : i32
    %rem3A_287 = arith.remsi %add3A_257, %select_n3A_286 : i32
    %ne3A_288 = arith.constant 0 : i32
    %ne3A_289 = arith.cmpi ne, %rem3A_287, %ne3A_288 : i32
    %lt3A_290 = arith.constant 0 : i32
    %lt3A_291 = arith.cmpi slt, %rem3A_287, %lt3A_290 : i32
    %lt3A_292 = arith.constant 0 : i32
    %lt3A_293 = arith.cmpi slt, %select_n3A_286, %lt3A_292 : i32
    %ne3A_294 = arith.xori %lt3A_291, %lt3A_293 : i1
    %and3A_295 = arith.andi %ne3A_294, %ne3A_289 : i1
    %add3A_296 = arith.addi %rem3A_287, %select_n3A_286 : i32
    %select_n3A_297 = arith.select %and3A_295, %add3A_296, %rem3A_287 : i32
    %dma_wait3A = arith.constant 0 : i32
    %dma_wait3A_298 = arith.constant 0 : i32
    %dma_wait3A_299 = arith.constant 0 : i32
    %dma_wait3A_300 = arith.constant 0 : i32
    %dma_wait3A_301 = tpu.memref_slice %arg7[%dma_wait3A, %dma_wait3A_298, %dma_wait3A_299, %dma_wait3A_300] : memref<2x8x8x129xf32, #tpu.memory_space<vmem>> -> memref<1x8x8x128xf32, #tpu.memory_space<vmem>>
    %dma_wait3A_302 = tpu.memref_squeeze %dma_wait3A_301 : memref<1x8x8x128xf32, #tpu.memory_space<vmem>> -> memref<8x8x128xf32, #tpu.memory_space<vmem>>
    %dma_wait3A_303 = arith.constant 0 : i32
    %dma_wait3A_304 = arith.constant 0 : i32
    %dma_wait3A_305 = arith.constant 0 : i32
    %dma_wait3A_306 = tpu.memref_slice %arg4[%select_n3A_281, %dma_wait3A_303, %select_n3A_297, %dma_wait3A_304, %dma_wait3A_305] : memref<50x8x128x8x128xf32, #tpu.memory_space<hbm>> -> memref<1x8x1x8x128xf32, #tpu.memory_space<hbm>>
    %dma_wait3A_307 = tpu.memref_squeeze %dma_wait3A_306 : memref<1x8x1x8x128xf32, #tpu.memory_space<hbm>> -> memref<8x8x128xf32, #tpu.memory_space<hbm>>
    %dma_wait3A_308 = arith.constant 0 : i32
    %dma_wait3A_309 = arith.constant 0 : i32
    %dma_wait3A_310 = arith.constant 0 : i32
    %dma_wait3A_311 = tpu.memref_slice %arg4[%select_n3A_281, %dma_wait3A_308, %select_n3A_297, %dma_wait3A_309, %dma_wait3A_310] : memref<50x8x128x8x128xf32, #tpu.memory_space<hbm>> -> memref<1x8x1x8x128xf32, #tpu.memory_space<hbm>>
    %dma_wait3A_312 = tpu.memref_squeeze %dma_wait3A_311 : memref<1x8x1x8x128xf32, #tpu.memory_space<hbm>> -> memref<8x8x128xf32, #tpu.memory_space<hbm>>
    %dma_wait3A_313 = arith.constant 0 : i32
    %dma_wait3A_314 = arith.constant 0 : i32
    %dma_wait3A_315 = arith.constant 0 : i32
    %dma_wait3A_316 = tpu.memref_slice %arg7[%dma_wait3A, %dma_wait3A_313, %dma_wait3A_314, %dma_wait3A_315] : memref<2x8x8x129xf32, #tpu.memory_space<vmem>> -> memref<1x8x8x128xf32, #tpu.memory_space<vmem>>
    %dma_wait3A_317 = tpu.memref_squeeze %dma_wait3A_316 : memref<1x8x8x128xf32, #tpu.memory_space<vmem>> -> memref<8x8x128xf32, #tpu.memory_space<vmem>>
    tpu.wait_dma2 semaphore(%arg10 : memref<!tpu.dma_semaphore, #tpu.memory_space<semaphore_mem>>) src(%dma_wait3A_317 : memref<8x8x128xf32, #tpu.memory_space<vmem>>) dst(%dma_wait3A_312 : memref<8x8x128xf32, #tpu.memory_space<hbm>>)
    %add3A_318 = arith.constant 199 : i32
    %add3A_319 = arith.addi %mul3A_2, %add3A_318 : i32
    %jit3A_320 = arith.constant 128 : i32
    %div3A_321 = arith.divsi %add3A_319, %jit3A_320 : i32
    %sign3A_322 = arith.constant 0 : i32
    %sign3A_323 = arith.cmpi sgt, %add3A_319, %sign3A_322 : i32
    %sign3A_324 = arith.extui %sign3A_323 : i1 to i32
    %sign3A_325 = arith.constant 0 : i32
    %sign3A_326 = arith.cmpi slt, %add3A_319, %sign3A_325 : i32
    %sign3A_327 = arith.extui %sign3A_326 : i1 to i32
    %sign3A_328 = arith.subi %sign3A_324, %sign3A_327 : i32
    %sign3A_329 = arith.constant 0 : i32
    %sign3A_330 = arith.cmpi sgt, %jit3A_320, %sign3A_329 : i32
    %sign3A_331 = arith.extui %sign3A_330 : i1 to i32
    %sign3A_332 = arith.constant 0 : i32
    %sign3A_333 = arith.cmpi slt, %jit3A_320, %sign3A_332 : i32
    %sign3A_334 = arith.extui %sign3A_333 : i1 to i32
    %sign3A_335 = arith.subi %sign3A_331, %sign3A_334 : i32
    %ne3A_336 = arith.cmpi ne, %sign3A_328, %sign3A_335 : i32
    %rem3A_337 = arith.remsi %add3A_319, %jit3A_320 : i32
    %ne3A_338 = arith.constant 0 : i32
    %ne3A_339 = arith.cmpi ne, %rem3A_337, %ne3A_338 : i32
    %and3A_340 = arith.andi %ne3A_336, %ne3A_339 : i1
    %sub3A_341 = arith.constant 1 : i32
    %sub3A_342 = arith.subi %div3A_321, %sub3A_341 : i32
    %select_n3A_343 = arith.select %and3A_340, %sub3A_342, %div3A_321 : i32
    %jit3A_344 = arith.constant 128 : i32
    %eq3A_345 = arith.constant 0 : i32
    %eq3A_346 = arith.cmpi eq, %jit3A_344, %eq3A_345 : i32
    %jit3A_347 = arith.constant 1 : i32
    %select_n3A_348 = arith.select %eq3A_346, %jit3A_347, %jit3A_344 : i32
    %rem3A_349 = arith.remsi %add3A_319, %select_n3A_348 : i32
    %ne3A_350 = arith.constant 0 : i32
    %ne3A_351 = arith.cmpi ne, %rem3A_349, %ne3A_350 : i32
    %lt3A_352 = arith.constant 0 : i32
    %lt3A_353 = arith.cmpi slt, %rem3A_349, %lt3A_352 : i32
    %lt3A_354 = arith.constant 0 : i32
    %lt3A_355 = arith.cmpi slt, %select_n3A_348, %lt3A_354 : i32
    %ne3A_356 = arith.xori %lt3A_353, %lt3A_355 : i1
    %and3A_357 = arith.andi %ne3A_356, %ne3A_351 : i1
    %add3A_358 = arith.addi %rem3A_349, %select_n3A_348 : i32
    %select_n3A_359 = arith.select %and3A_357, %add3A_358, %rem3A_349 : i32
    %dma_wait3A_360 = arith.constant 1 : i32
    %dma_wait3A_361 = arith.constant 0 : i32
    %dma_wait3A_362 = arith.constant 0 : i32
    %dma_wait3A_363 = arith.constant 0 : i32
    %dma_wait3A_364 = tpu.memref_slice %arg7[%dma_wait3A_360, %dma_wait3A_361, %dma_wait3A_362, %dma_wait3A_363] : memref<2x8x8x129xf32, #tpu.memory_space<vmem>> -> memref<1x8x8x128xf32, #tpu.memory_space<vmem>>
    %dma_wait3A_365 = tpu.memref_squeeze %dma_wait3A_364 : memref<1x8x8x128xf32, #tpu.memory_space<vmem>> -> memref<8x8x128xf32, #tpu.memory_space<vmem>>
    %dma_wait3A_366 = arith.constant 0 : i32
    %dma_wait3A_367 = arith.constant 0 : i32
    %dma_wait3A_368 = arith.constant 0 : i32
    %dma_wait3A_369 = tpu.memref_slice %arg4[%select_n3A_343, %dma_wait3A_366, %select_n3A_359, %dma_wait3A_367, %dma_wait3A_368] : memref<50x8x128x8x128xf32, #tpu.memory_space<hbm>> -> memref<1x8x1x8x128xf32, #tpu.memory_space<hbm>>
    %dma_wait3A_370 = tpu.memref_squeeze %dma_wait3A_369 : memref<1x8x1x8x128xf32, #tpu.memory_space<hbm>> -> memref<8x8x128xf32, #tpu.memory_space<hbm>>
    %dma_wait3A_371 = arith.constant 0 : i32
    %dma_wait3A_372 = arith.constant 0 : i32
    %dma_wait3A_373 = arith.constant 0 : i32
    %dma_wait3A_374 = tpu.memref_slice %arg4[%select_n3A_343, %dma_wait3A_371, %select_n3A_359, %dma_wait3A_372, %dma_wait3A_373] : memref<50x8x128x8x128xf32, #tpu.memory_space<hbm>> -> memref<1x8x1x8x128xf32, #tpu.memory_space<hbm>>
    %dma_wait3A_375 = tpu.memref_squeeze %dma_wait3A_374 : memref<1x8x1x8x128xf32, #tpu.memory_space<hbm>> -> memref<8x8x128xf32, #tpu.memory_space<hbm>>
    %dma_wait3A_376 = arith.constant 0 : i32
    %dma_wait3A_377 = arith.constant 0 : i32
    %dma_wait3A_378 = arith.constant 0 : i32
    %dma_wait3A_379 = tpu.memref_slice %arg7[%dma_wait3A_360, %dma_wait3A_376, %dma_wait3A_377, %dma_wait3A_378] : memref<2x8x8x129xf32, #tpu.memory_space<vmem>> -> memref<1x8x8x128xf32, #tpu.memory_space<vmem>>
    %dma_wait3A_380 = tpu.memref_squeeze %dma_wait3A_379 : memref<1x8x8x128xf32, #tpu.memory_space<vmem>> -> memref<8x8x128xf32, #tpu.memory_space<vmem>>
    tpu.wait_dma2 semaphore(%arg11 : memref<!tpu.dma_semaphore, #tpu.memory_space<semaphore_mem>>) src(%dma_wait3A_380 : memref<8x8x128xf32, #tpu.memory_space<vmem>>) dst(%dma_wait3A_375 : memref<8x8x128xf32, #tpu.memory_space<hbm>>)
    return
  }
}

</mosaic_0001>

<sc_bundles>
// kernel: _lookup.3.cloned.1.call-start
scs
__scs_entry_jumppad:
0x0: {  	(pc) =	sbr.rel $0x88, $3  }
0x1: {  	(tag) =	ssettag $0x0;
	lr =	simm.s32 $0x1  }
0x2: {  	[smem:$0x3F9F] =	sst lr;
	_ =	strace $0xD0000000  }
0x3: {  	_ = 	snop  }
0x4: {  	_ = 	snop  }
0x5: {  	_ = 	snop  }
0x6: {  	_ = 	snop  }
0x7: {  	_ = 	snop  }
__scs_overlays_trampoline_lowered:
0x8: {  	[smem:$0x3FAE] =	sst s0  }
0x9: {  	[smem:$0x3FAF] =	sst s1  }
0xa: {  	[smem:$0x3FB0] =	sst s2  }
0xb: {  	[smem:$0x3FB1] =	sst s3  }
0xc: {  	[smem:$0x3FB2] =	sst s4  }
0xd: {  	[smem:$0x3FB3] =	sst s5  }
0xe: {  	[smem:$0x3FB4] =	sst s6  }
0xf: {  	[smem:$0x3FB5] =	sst s7  }
0x10: {  	[smem:$0x3FB6] =	sst s8  }
0x11: {  	[smem:$0x3FB7] =	sst s9;
	s0 =	simm.s32 @!p0 $0x0  }
0x12: {  	s1 =	sld [smem:$0x3F9D];
	s0 =	simm.s32 @p0 $0x1  }
0x13: {  	[smem:$0x3FB8] =	sst s0;
	s0 =	simm.s32 @!p1 $0x0  }
0x14: {  	s2 =	sld [smem:$0x3F9C];
	s0 =	simm.s32 @p1 $0x1  }
0x15: {  	[smem:$0x3FB9] =	sst s0;
	s0 =	simm.s32 @!p2 $0x0  }
0x16: {  	s3 =	sld [smem:$0x3FDB];
	s0 =	simm.s32 @p2 $0x1  }
0x17: {  	s4 =	simm.s32 $0x1BF5;
	[smem:$0x3FBB] =	sst s0  }
0x18: {  	s0 =	sld [smem:$0x3F9E];
	_ =	swait.ge [sflag:s4], $0x0  }
0x19: {  	s7 =	sld [smem:$0x3F9F]  }
0x1a: {  	s8 =	sadd.s32 $0xFFFFE003, lr  }
0x1b: {  	s9 =	sadd.s32 $0xFFFFFEF7, lr;
	s5 =	simm.s32 $0xFFFFFFFF;
	p2 =	slt.u32 s8, $0xFFFFF086  }
0x1c: {  	p1 =	slt.u32 s9, $0xF7A;
	s5 =	simm.s32 @!p2 $0x0  }
0x1d: {  	s5 =	simm.s32 @p1 $0x1;
	p0 =	seq.s32 s7, s2  }
0x1e: {  	s7 =	smul.u32 @!p0 $0xF7A, s2;
	p2 =	seq.s32 @!p0 s5, $0x0  }
0x1f: {  	s9 =	smul.u32 $0xF7A, s1;
	s8 =	simm.s32 @!p0 $0x1BF5;
	p2 =	por !p2, p0  }
0x20: {  	[sflag:s8] =	ssyncset.s32 @!p0 $0xFFFFF086;
	s6 =	sadd.s32 @!p0 s3, s7;
	s7 =	simm.s32 @!p0 $0x108  }
0x21: {  	s3 =	sadd.s32 s3, s9;
	s6 =	sadd.s32 @!p0 $0x88, s6;
	s7 =	simm.s32 @p2 $0x1082  }
0x22: {  	[simem:s7], [sflag:s8] =	dma.local @!p0 [hbm:s6], $0xF7A  }
0x23: {  	s9 =	sor.u32 $0xD0000000, s2;
	s6 =	simm.s32 $0x108;
	_ =	swait.ge @!p0 [sflag:s8], $0x0  }
0x24: {  	s3 =	sadd.s32 $0x88, s3;
	s6 =	simm.s32 @!p1 $0x1082;
	[sflag:s4] =	ssyncset.s32 $0xFFFFF086  }
0x25: {  	[simem:s6], [sflag:s4] =	dma.local [hbm:s3], $0xF7A  }
0x26: {  	[smem:$0x3F9F] =	sst s1;
	(tag) =	ssettag s2;
	_ =	strace s9  }
0x27: {  	s1 =	sld [smem:$0x3FAF]  }
0x28: {  	s2 =	sld [smem:$0x3FB0]  }
0x29: {  	s4 =	sld [smem:$0x3FB2]  }
0x2a: {  	p0 =	seq.s32 s5, $0x0;
	s5 =	sld [smem:$0x3FB3]  }
0x2b: {  	s6 =	sld [smem:$0x3FB4]  }
0x2c: {  	s7 =	sld [smem:$0x3FB5]  }
0x2d: {  	s3 =	simm.s32 $0x108;
	s8 =	sld [smem:$0x3FB6]  }
0x2e: {  	s3 =	simm.s32 @!p0 $0x1082;
	s9 =	sld [smem:$0x3FB7]  }
0x2f: {  	lr =	sadd.s32 s0, s3;
	s0 =	sld [smem:$0x3FAE]  }
0x30: {  	s3 =	sld [smem:$0x3FB1]  }
0x31: {  	[smem:$0x3FBA] =	sst s10  }
0x32: {  	s10 =	sld [smem:$0x3FB8];
	_ =	sdelay $0x3  }
0x33: {  	p0 =	seq.s32 s10, $0x1;
	s10 =	sld [smem:$0x3FBA];
	_ =	sdelay $0x3  }
0x34: {  	[smem:$0x3FBA] =	sst s10  }
0x35: {  	s10 =	sld [smem:$0x3FB9];
	_ =	sdelay $0x3  }
0x36: {  	p1 =	seq.s32 s10, $0x1;
	s10 =	sld [smem:$0x3FBA];
	_ =	sdelay $0x3  }
0x37: {  	[smem:$0x3FBA] =	sst s10  }
0x38: {  	s10 =	sld [smem:$0x3FBB]  }
0x39: {  	_ = 	snop;
	(pc) =	sbr.ind lr, $3  }
0x3a: {  	_ = 	snop  }
0x3b: {  	_ = 	snop  }
0x3c: {  	p2 =	seq.s32 s10, $0x1;
	s10 =	sld [smem:$0x3FBA]  }
0x3d: {  	_ =	shalt  }
0x3e: {  	_ =	shalt  }
0x3f: {  	_ =	shalt  }
0x40: {  	_ =	shalt  }
0x41: {  	_ =	shalt  }
0x42: {  	_ =	shalt  }
0x43: {  	_ =	shalt  }
0x44: {  	_ =	shalt  }
0x45: {  	_ =	shalt  }
0x46: {  	_ =	shalt  }
0x47: {  	_ =	shalt  }
0x48: {  	_ =	shalt  }
0x49: {  	_ =	shalt  }
0x4a: {  	_ =	shalt  }
0x4b: {  	_ =	shalt  }
0x4c: {  	_ =	shalt  }
0x4d: {  	_ =	shalt  }
0x4e: {  	_ =	shalt  }
0x4f: {  	_ =	shalt  }
0x50: {  	_ =	shalt  }
0x51: {  	_ =	shalt  }
0x52: {  	_ =	shalt  }
0x53: {  	_ =	shalt  }
0x54: {  	_ =	shalt  }
0x55: {  	_ =	shalt  }
0x56: {  	_ =	shalt  }
0x57: {  	_ =	shalt  }
0x58: {  	_ =	shalt  }
0x59: {  	_ =	shalt  }
0x5a: {  	_ =	shalt  }
0x5b: {  	_ =	shalt  }
0x5c: {  	_ =	shalt  }
0x5d: {  	_ =	shalt  }
0x5e: {  	_ =	shalt  }
0x5f: {  	_ =	shalt  }
0x60: {  	_ =	shalt  }
0x61: {  	_ =	shalt  }
0x62: {  	_ =	shalt  }
0x63: {  	_ =	shalt  }
0x64: {  	_ =	shalt  }
0x65: {  	_ =	shalt  }
0x66: {  	_ =	shalt  }
0x67: {  	_ =	shalt  }
0x68: {  	_ =	shalt  }
0x69: {  	_ =	shalt  }
0x6a: {  	_ =	shalt  }
0x6b: {  	_ =	shalt  }
0x6c: {  	_ =	shalt  }
0x6d: {  	_ =	shalt  }
0x6e: {  	_ =	shalt  }
0x6f: {  	_ =	shalt  }
0x70: {  	_ =	shalt  }
0x71: {  	_ =	shalt  }
0x72: {  	_ =	shalt  }
0x73: {  	_ =	shalt  }
0x74: {  	_ =	shalt  }
0x75: {  	_ =	shalt  }
0x76: {  	_ =	shalt  }
0x77: {  	_ =	shalt  }
0x78: {  	_ =	shalt  }
0x79: {  	_ =	shalt  }
0x7a: {  	_ =	shalt  }
0x7b: {  	_ =	shalt  }
0x7c: {  	_ =	shalt  }
0x7d: {  	_ =	shalt  }
0x7e: {  	_ =	shalt  }
0x7f: {  	_ =	shalt  }
0x80: {  	_ =	shalt  }
0x81: {  	_ =	shalt  }
0x82: {  	_ =	shalt  }
0x83: {  	_ =	shalt  }
0x84: {  	_ =	shalt  }
0x85: {  	_ =	shalt  }
0x86: {  	_ =	shalt  }
0x87: {  	_ =	shalt  }
.Lfunc_end0:
.L_simem_size_0:
called_computation_lowered:
.L_overlay_start_0:
0x88: {  	s2 =	sld [smem:$0x3FD9]  }
0x89: {  	s3 =	sld [smem:$0x3FFE];
	_ =	sdelay $0x1  }
0x8a: {  	s1 =	srdreg.scid  }
0x8b: {  	s0 =	sand.u32 $0x1, s1  }
0x8c: {  	s17 =	sshll.u32 s0, $0xA;
	s2 =	sadd.s32 s3, s2  }
0x8d: {  	s2 =	sadd.s32 s2, s17  }
0x8e: {  	[smem:$0x3FC6] =	sst s2  }
0x8f: {  	_ = 	snop  }
0x90: {  	s2 =	sld [smem:$0x3FC9]  }
0x91: {  	s18 =	sld [smem:$0x3FD0];
	(tm) =	ssettm $0x1  }
0x92: {  	s4 =	sld [smem:$0x3FFB];
	_ =	sdelay $0x3  }
0x93: {  	_ =	strace s4  }
0x94: {  	s4 =	sld [smem:$0x3FFC];
	_ =	sdelay $0x3  }
0x95: {  	_ =	strace s4  }
0x96: {  	s4 =	sld [smem:$0x3FFD];
	_ =	sdelay $0x3  }
0x97: {  	_ =	strace s4  }
0x98: {  	_ =	strace $0x8FFFFFFF  }
0x99: {  	s19 =	sld [smem:$0x3FDB];
	_ =	sdelay $0x1  }
0x9a: {  	s5 =	simm.s32 $_scs_section_size  }
0x9b: {  	s6 =	simm.s32 $_size__tile_overlayer_lowered;
	s7 =	simm.s32 $_tile_overlayer_lowered  }
0x9c: {  	s22 =	simm.s32 $0x1BFF;
	s21 =	sshll.u32 s7, $0x1;
	s4 =	sadd.s32 s5, s19  }
0x9d: {  	s8 =	simm.s32 $0x0;
	s20 =	sshll.u32 s6, $0x1;
	s6 =	sadd.s32 s21, s4  }
0x9e: {  	[timem:s8], [sflag:s22] =	dma.local [hbm:s6], s20  }
0x9f: {  	_ =	swait.ge [sflag:s22], s20  }
0xa0: {  	s5 =	ssub.s32 $0x0, s20;
	[sflag:s22] =	ssyncset.done $0x0  }
0xa1: {  	[sflag:s22] =	ssyncadd.s32 s5;
	_ =	sdelay $0x1  }
0xa2: {  	s23 =	simm.s32 $0x1B8B  }
0xa3: {  	_ =	swait.ge [sflag:s23], $0x1  }
0xa4: {  	[sflag:s23] =	ssyncset.done $0x0  }
0xa5: {  	s25 =	simm.s32 $0x1B8E;
	s24 =	sld [smem:$0x3FFE];
	[sflag:s23] =	ssyncadd.s32 $0xFFFFFFFF  }
0xa6: {  	s26 =	simm.s32 $execute0_lowered;
	[smem:$0x3FD2] =	sst s25  }
0xa7: {  	s6 =	sshll.u32 s26, $0x1;
	_ =	strace $0x80000046;
	[dreg:$0x1] =	wrdreg $0xFFFFFFFF  }
0xa8: {  	s28 =	simm.s32 $_size_execute0_lowered;
	s4 =	sadd.s32 s4, s6;
	[dreg:$0x0] =	wrdreg $0x0  }
0xa9: {  	s6 =	sshll.u32 s28, $0x1;
	[dreg:$0x2] =	wrdreg s4  }
0xaa: {  	[dreg:$0x3] =	wrdreg s6  }
0xab: {  	[dreg:$0x4] =	wrdreg $0xC0  }
0xac: {  	_ =	task [dreg:s8], $0x5FFFF  }
0xad: {  	[dreg:$0x1] =	wrdreg $0xFFFFFFFF  }
0xae: {  	[dreg:$0x0] =	wrdreg $0x60  }
0xaf: {  	[dreg:$0x2] =	wrdreg s2  }
0xb0: {  	[dreg:$0x3] =	wrdreg s24  }
0xb1: {  	[dreg:$0x4] =	wrdreg s18  }
0xb2: {  	[dreg:$0x5] =	wrdreg $0x9  }
0xb3: {  	_ =	task.clear_ibuf [dreg:s8], $0x6FFFF;
	_ =	strace $0x90000046  }
0xb4: {  	s29 =	simm.s32 $0x9;
	_ =	strace $0x80000048  }
0xb5: {  	_ =	swait.ge [sflag:s29], $0x1  }
0xb6: {  	[sflag:s29] =	ssyncadd.s32 $0xFFFFFFFF  }
0xb7: {  	_ =	strace $0x90000048  }
0xb8: {  	_ =	sfence  }
0xb9: {  	s30 =	sld [smem:$0x0];
	_ =	sdelay $0x2  }
0xba: {  	s31 =	sshll.u32 s1, $0xD;
	s1 =	sshrl.u32 s1, $0x2  }
0xbb: {  	s3 =	sand.u32 $0x4000, s31;
	s1 =	sadd.s32 s1, s30  }
0xbc: {  	s0 =	sor.u32 s3, s0;
	s1 =	sshll.u32 s1, $0x11  }
0xbd: {  	s0 =	sor.u32 s1, s0  }
0xbe: {  	s0 =	sadd.s32 $0x8F2B, s0  }
0xbf: {  	[sflag:s0] =	ssyncadd.remote.s32 $0x1  }
0xc0: {  	_ =	sfence.sel $0xFFFF  }
0xc1: {  	[dreg:$0x0] =	wrdreg $0xFFFFFFFF;
	(pc) =	sbr.abs _section_cstart, $3  }
0xc2: {  	[dreg:$0x1] =	wrdreg $0xFFFFFFFF  }
0xc3: {  	_ =	task.clear_ibuf [dreg:s8], $0x2FFFF;
	_ =	strace $0x9FFFFFFF  }
0xc4: {  	(tm) =	ssettm $0x7FFFFFFF  }
0xc5: {  	_ =	shalt  }
tec
execute0_lowered:
.L_overlay_start_1:
0x0: {  	(tag) =	ssettag $0x1  }
0x1: {  	s6 =	rddreg [dreg:$0x0]  }
0x2: {  	s4 =	rddreg [dreg:$0x1]  }
0x3: {  	s2 =	rddreg [dreg:$0x2]  }
0x4: {  	s0 =	rddreg [dreg:$0x3]  }
0x5: {  	s5 =	srdreg.scid;
	s1 =	stileid.u32;
	s3 =	simm.s32 $0x0  }
0x6: {  	s10 =	simm.s32 $0x6400;
	s11 =	simm.s32 $0x8400;
	s12 =	simm.s32 $0x1  }
0x7: {  	s13 =	simm.s32 $0xA400;
	s14 =	simm.s32 $0x2;
	s15 =	simm.s32 $0x3  }
0x8: {  	v0 =	vlaneseq.u32;
	s16 =	simm.s32 $0x4;
	s17 =	simm.s32 $0x0;
	s5 =	sand.u32 $0x1, s5  }
.Ltmp0:
0x9: {  	s7 =	sshll.u32 s1, $0x1;
	[smem:$0x7FF] =	sst s3;
	v0 =	vmul.u32 $0x88, v0;
	(pc) =	sbr.rel .LBB2_1-.Ltmp0, $4  }
0xa: {  	s4 =	sadd.s32 $0xF42800, s4;
	s8 =	ssub.s32 $0x2, s5;
	s5 =	sor.u32 s5, s7  }
0xb: {  	_ =	strace $0x80000047;
	s31 =	sshrl.u32 s8, $0x1;
	s9 =	smul.u32 $0xC80, s5;
	v1 =	vadd.s32 $0x880, v0  }
0xc: {  	s5 =	smul.u32 $0xC8, s5;
	v2 =	vadd.s32 $0x1100, v0;
	v3 =	vadd.s32 $0x1980, v0;
	v4 =	vadd.s32 $0x2200, v0;
	s7 =	ssub.s32 s8, s31;
	s8 =	simm.s32 $0x5  }
0xd: {  	v5 =	vadd.s32 $0x2A80, v0;
	v6 =	vadd.s32 $0x3300, v0;
	v7 =	vadd.s32 $0x3B80, v0;
	s6 =	sadd.s32 s6, s9;
	s7 =	smax.u32 s7, $0x1;
	s9 =	simm.s32 $0x80  }
.LBB2_12:
0xe: {  	s17 =	sadd.s32 $0x1, s17  }
0xf: {  	_ =	swait.ge [sflag:s15], $0x2000;
	p0 =	sne.s32 s17, s7  }
.Ltmp1:
0x10: {  	[sflag:s15] =	ssyncset.done $0x0;
	(pc) =	sbr.rel @!p0 .LBB2_13-.Ltmp1, $4  }
0x11: {  	[sflag:s15] =	ssyncadd.s32 $0xFFFFE000  }
0x12: {  	_ =	swait.ge [sflag:s16], $0x2000  }
0x13: {  	[sflag:s16] =	ssyncset.done $0x0  }
0x14: {  	[sflag:s16] =	ssyncadd.s32 $0xFFFFE000  }
.LBB2_1:
0x15: {  	[tilespmem:s3], [sflag:$0x5] =	stream.linear.gather [hbm4b:s6+s3], $0x6400, $0x38;
	[tilespmem:$0xE800] =	vst v63  }
0x16: {  	_ =	swait.ge [sflag:s8], $0x6400  }
0x17: {  	[sflag:s8] =	ssyncset.done $0x0  }
0x18: {  	[sflag:s8] =	ssyncadd.s32 $0xFFFF9C00  }
0x19: {  	[tilespmem:s10], [sflag:$0x1] =	stream.indirect.gather [hbm4b:s4+s9], $0x40, s3, s9, $0xb8;
	[tilespmem:$0xE800] =	vst v63  }
0x1a: {  	s18 =	simm.s32 $0x0  }
0x1b: {  	[tilespmem:s11], [sflag:$0x2] =	stream.indirect.gather [hbm4b:s4+s9], $0x40, s9, s9, $0xb8;
	[tilespmem:$0xE800] =	vst v63  }
.LBB2_2:
0x1c: {  	_ =	swait.ge [sflag:s12], $0x2000  }
0x1d: {  	p0 =	seq.s32 s18, $0x0;
	[sflag:s12] =	ssyncset.done $0x0  }
0x1e: {  	s19 =	simm.s32 @!p0 $0x3;
	[sflag:s12] =	ssyncadd.s32 $0xFFFFE000  }
0x1f: {  	s20 =	simm.s32 $0x3;
	_ =	swait.ge @!p0 [sflag:s19], $0x2000  }
0x20: {  	s24 =	simm.s32 $0x0;
	v8 =	vmov s20;
	[sflag:s19] =	ssyncset.done @!p0 $0x0  }
0x21: {  	s21 =	simm.s32 $0x6480;
	s25 =	simm.s32 $0x1;
	v9 =	vand.u32 $0x7F, v8;
	v8 =	vmov s24;
	[sflag:s19] =	ssyncadd.s32 @!p0 $0xFFFFE000  }
0x22: {  	v12 =	vadd.s32 v0, v9;
	v10 =	vand.u32 $0x7C, v8;
	v8 =	vmov s25;
	v11 =	vld [tilespmem:s21+$0x40]  }
0x23: {  	v14 =	vadd.s32 v0, v10;
	v15 =	vand.u32 $0x7D, v8;
	v13 =	vld [tilespmem:s21+$0xFFFFFF80]  }
0x24: {  	s26 =	simm.s32 $0x2;
	v16 =	vadd.s32 v0, v15;
	v8 =	vld [tilespmem:s21+$0xFFFFFFC0]  }
0x25: {  	v17 =	vmov s26  }
0x26: {  	v17 =	vand.u32 $0x7E, v17  }
0x27: {  	v19 =	vadd.s32 v0, v17;
	v18 =	vld [tilespmem:s21+$0x0];
	[tilespmem:v12+s13+$0x0] =	vst.idx.msk $0xffff, v11  }
0x28: {  	v12 =	vadd.s32 v1, v9;
	[tilespmem:v14+s13+$0x0] =	vst.idx.msk $0xffff, v13;
	v11 =	vld [tilespmem:s21+$0x50]  }
0x29: {  	v14 =	vadd.s32 v1, v10;
	[tilespmem:v16+s13+$0x0] =	vst.idx.msk $0xffff, v8;
	v13 =	vld [tilespmem:s21+$0xFFFFFF90]  }
0x2a: {  	v16 =	vadd.s32 v1, v15;
	v8 =	vld [tilespmem:s21+$0xFFFFFFD0];
	_ =	sdelay $0x1  }
0x2b: {  	[tilespmem:v19+s13+$0x0] =	vst.idx.msk $0xffff, v18  }
0x2c: {  	v20 =	vadd.s32 v1, v17;
	v19 =	vld [tilespmem:s21+$0x10];
	[tilespmem:v12+s13+$0x0] =	vst.idx.msk $0xffff, v11  }
0x2d: {  	s28 =	simm.s32 $0x7;
	v18 =	vadd.s32 v2, v9;
	[tilespmem:v14+s13+$0x0] =	vst.idx.msk $0xffff, v13;
	v11 =	vld [tilespmem:s21+$0x60]  }
0x2e: {  	v14 =	vadd.s32 v2, v10;
	v12 =	vmov s28;
	[tilespmem:v16+s13+$0x0] =	vst.idx.msk $0xffff, v8;
	v13 =	vld [tilespmem:s21+$0xFFFFFFA0]  }
0x2f: {  	s20 =	simm.s32 $0x6580;
	v21 =	vadd.s32 v2, v15;
	v12 =	vand.u32 $0x7F, v12;
	v16 =	vld [tilespmem:s21+$0xFFFFFFE0]  }
0x30: {  	s29 =	simm.s32 $0x4;
	v22 =	vld [tilespmem:s20+$0x40];
	v23 =	vadd.s32 v0, v12  }
0x31: {  	s30 =	simm.s32 $0x5;
	v8 =	vmov s29;
	[tilespmem:v20+s13+$0x0] =	vst.idx.msk $0xffff, v19  }
0x32: {  	v26 =	vmov s30;
	v8 =	vand.u32 $0x7C, v8;
	[tilespmem:v18+s13+$0x0] =	vst.idx.msk $0xffff, v11  }
0x33: {  	s31 =	simm.s32 $0x6;
	v24 =	vld [tilespmem:s20+$0xFFFFFF80];
	v25 =	vadd.s32 v0, v8;
	v11 =	vand.u32 $0x7D, v26;
	[tilespmem:v14+s13+$0x0] =	vst.idx.msk $0xffff, v13  }
0x34: {  	v18 =	vmov s31;
	v13 =	vld [tilespmem:s20+$0xFFFFFFC0];
	[tilespmem:v21+s13+$0x0] =	vst.idx.msk $0xffff, v16;
	v14 =	vadd.s32 v0, v11  }
0x35: {  	v20 =	vadd.s32 v3, v9;
	v16 =	vld [tilespmem:s21+$0x20];
	v9 =	vand.u32 $0x7E, v18;
	[tilespmem:v23+s13+$0x0] =	vst.idx.msk $0xffff, v22;
	v22 =	vadd.s32 v2, v17  }
0x36: {  	v18 =	vld [tilespmem:s20+$0x0];
	v62 =	vadd.s32 v0, v9  }
0x37: {  	v19 =	vld [tilespmem:s21+$0x70]  }
0x38: {  	v63 =	vadd.s32 v1, v12;
	[tilespmem:v25+s13+$0x0] =	vst.idx.msk $0xffff, v24;
	v23 =	vld [tilespmem:s20+$0x50]  }
0x39: {  	v27 =	vadd.s32 v1, v8;
	v25 =	vld [tilespmem:s20+$0xFFFFFF90];
	[tilespmem:v14+s13+$0x0] =	vst.idx.msk $0xffff, v13  }
0x3a: {  	v29 =	vadd.s32 v3, v15;
	v28 =	vld [tilespmem:s21+$0xFFFFFFF0];
	[tilespmem:v22+s13+$0x0] =	vst.idx.msk $0xffff, v16  }
0x3b: {  	v22 =	vadd.s32 v1, v11;
	v21 =	vld [tilespmem:s20+$0xFFFFFFD0];
	[tilespmem:v62+s13+$0x0] =	vst.idx.msk $0xffff, v18  }
0x3c: {  	[tilespmem:v20+s13+$0x0] =	vst.idx.msk $0xffff, v19;
	v20 =	vadd.s32 v1, v9;
	v18 =	vld [tilespmem:s20+$0x10]  }
0x3d: {  	v19 =	vadd.s32 v3, v17;
	[tilespmem:v63+s13+$0x0] =	vst.idx.msk $0xffff, v23;
	v14 =	vld [tilespmem:s21+$0x30]  }
0x3e: {  	s22 =	simm.s32 $0x8;
	v16 =	vadd.s32 v2, v12;
	[tilespmem:v27+s13+$0x0] =	vst.idx.msk $0xffff, v25;
	v13 =	vld [tilespmem:s20+$0x60]  }
0x3f: {  	s23 =	simm.s32 $0xC;
	s24 =	simm.s32 $0xB;
	s19 =	sshll.u32 s18, $0x1;
	v17 =	vadd.s32 v2, v8;
	[tilespmem:v29+s13+$0x0] =	vst.idx.msk $0xffff, v28;
	v15 =	vld [tilespmem:s20+$0xFFFFFFA0]  }
.LBB2_3:
0x40: {  	p1 =	slt.u32 s23, $0x7C;
	v23 =	vmov s24;
	[tilespmem:v22+s13+$0x0] =	vst.idx.msk $0xffff, v21;
	v21 =	vld [tilespmem:s21+$0xFFFFFFB0];
	v22 =	vadd.s32 v3, v10;
	v10 =	vmov v8;
	s21 =	smov.u32 s20  }
0x41: {  	v8 =	vmov s22;
	v25 =	vadd.s32 v2, v11;
	s20 =	sadd.s32 $0x100, s20;
	v23 =	vand.u32 $0x7F, v23;
	v24 =	vld [tilespmem:s21+$0xFFFFFFE0];
	[tilespmem:v20+s13+$0x0] =	vst.idx.msk $0xffff, v18  }
0x42: {  	s24 =	sadd.s32 $0x1, s22;
	v8 =	vand.u32 $0x7C, v8;
	v18 =	vld [tilespmem:s20+$0x40];
	v20 =	vadd.s32 v0, v23;
	[tilespmem:v19+s13+$0x0] =	vst.idx.msk $0xffff, v14  }
0x43: {  	v26 =	vmov s24;
	s24 =	sadd.s32 $0x2, s22;
	s22 =	smov.u32 s23;
	v19 =	vadd.s32 v0, v8;
	v14 =	vld [tilespmem:s20+$0xFFFFFF80];
	[tilespmem:v16+s13+$0x0] =	vst.idx.msk $0xffff, v13  }
0x44: {  	v13 =	vand.u32 $0x7D, v26;
	v16 =	vmov s24;
	[tilespmem:v17+s13+$0x0] =	vst.idx.msk $0xffff, v15;
	v15 =	vld [tilespmem:s21+$0x70];
	v17 =	vadd.s32 v3, v12;
	v12 =	vmovc v23  }
0x45: {  	v26 =	vadd.s32 v0, v13;
	v16 =	vand.u32 $0x7E, v16;
	v23 =	vld [tilespmem:s20+$0xFFFFFFC0];
	[tilespmem:v22+s13+$0x0] =	vst.idx.msk $0xffff, v21  }
0x46: {  	v28 =	vadd.s32 v0, v16;
	v27 =	vld [tilespmem:s20+$0x0];
	[tilespmem:v25+s13+$0x0] =	vst.idx.msk $0xffff, v24  }
0x47: {  	v25 =	vadd.s32 v2, v9;
	[tilespmem:v20+s13+$0x0] =	vst.idx.msk $0xffff, v18;
	v24 =	vld [tilespmem:s21+$0x20]  }
0x48: {  	[tilespmem:v19+s13+$0x0] =	vst.idx.msk $0xffff, v14;
	v14 =	vld [tilespmem:s20+$0x50];
	v19 =	vadd.s32 v1, v12  }
0x49: {  	v30 =	vadd.s32 v1, v8;
	v29 =	vld [tilespmem:s20+$0xFFFFFF90];
	[tilespmem:v17+s13+$0x0] =	vst.idx.msk $0xffff, v15  }
0x4a: {  	[tilespmem:v26+s13+$0x0] =	vst.idx.msk $0xffff, v23;
	v23 =	vld [tilespmem:s21+$0xFFFFFFF0];
	v26 =	vadd.s32 v3, v11;
	v11 =	vmov v13  }
.Ltmp2:
0x4b: {  	v21 =	vld [tilespmem:s20+$0xFFFFFFD0];
	v22 =	vadd.s32 v1, v11;
	[tilespmem:v28+s13+$0x0] =	vst.idx.msk $0xffff, v27;
	(pc) =	sbr.rel @p1 .LBB2_3-.Ltmp2, $4  }
0x4c: {  	v20 =	vadd.s32 v1, v16;
	v18 =	vld [tilespmem:s20+$0x10];
	[tilespmem:v25+s13+$0x0] =	vst.idx.msk $0xffff, v24  }
0x4d: {  	[tilespmem:v19+s13+$0x0] =	vst.idx.msk $0xffff, v14;
	v14 =	vld [tilespmem:s21+$0x30];
	v19 =	vadd.s32 v3, v9;
	v9 =	vmov v16  }
0x4e: {  	v16 =	vadd.s32 v2, v12;
	[tilespmem:v30+s13+$0x0] =	vst.idx.msk $0xffff, v29;
	v13 =	vld [tilespmem:s20+$0x60]  }
0x4f: {  	s23 =	sadd.s32 $0x4, s23;
	s24 =	sadd.s32 $0x3, s22;
	v17 =	vadd.s32 v2, v8;
	v15 =	vld [tilespmem:s20+$0xFFFFFFA0];
	[tilespmem:v26+s13+$0x0] =	vst.idx.msk $0xffff, v23  }
0x50: {  	_ =	sdelay $0x2  }
0x51: {  	v23 =	vmov s24  }
0x52: {  	s23 =	sadd.s32 $0x1, s22;
	[tilespmem:v22+s13+$0x0] =	vst.idx.msk $0xffff, v21;
	v28 =	vld [tilespmem:s21+$0xFFFFFFB0];
	v10 =	vadd.s32 v3, v10;
	s30 =	sadd.s32 $0x100, s20;
	v25 =	vmov s22;
	v29 =	vand.u32 $0x7F, v23  }
0x53: {  	s31 =	sadd.s32 $0x2, s22;
	v30 =	vmov s23;
	[tilespmem:v20+s13+$0x0] =	vst.idx.msk $0xffff, v18;
	v31 =	vld [tilespmem:s30+$0x40];
	v25 =	vand.u32 $0x7C, v25;
	v32 =	vadd.s32 v0, v29  }
0x54: {  	v24 =	vmov s31;
	v26 =	vld [tilespmem:s30+$0xFFFFFF80];
	v23 =	vand.u32 $0x7D, v30;
	[tilespmem:v19+s13+$0x0] =	vst.idx.msk $0xffff, v14;
	v37 =	vadd.s32 v0, v25  }
0x55: {  	v33 =	vld [tilespmem:s30+$0xFFFFFFC0];
	v24 =	vand.u32 $0x7E, v24;
	v34 =	vadd.s32 v0, v23;
	[tilespmem:v16+s13+$0x0] =	vst.idx.msk $0xffff, v13  }
0x56: {  	v35 =	vld [tilespmem:s30+$0x0];
	v36 =	vadd.s32 v0, v24;
	[tilespmem:v17+s13+$0x0] =	vst.idx.msk $0xffff, v15  }
0x57: {  	v39 =	vadd.s32 v2, v11;
	v38 =	vld [tilespmem:s20+$0xFFFFFFE0];
	[tilespmem:v10+s13+$0x0] =	vst.idx.msk $0xffff, v28  }
0x58: {  	v47 =	vadd.s32 v2, v9;
	v46 =	vld [tilespmem:s20+$0x20];
	[tilespmem:v32+s13+$0x0] =	vst.idx.msk $0xffff, v31  }
0x59: {  	v41 =	vadd.s32 v1, v29;
	[tilespmem:v37+s13+$0x0] =	vst.idx.msk $0xffff, v26;
	v18 =	vld [tilespmem:s30+$0x50]  }
0x5a: {  	v45 =	vadd.s32 v1, v25;
	[tilespmem:v34+s13+$0x0] =	vst.idx.msk $0xffff, v33;
	v44 =	vld [tilespmem:s30+$0xFFFFFF90]  }
0x5b: {  	v42 =	vadd.s32 v1, v23;
	[tilespmem:v36+s13+$0x0] =	vst.idx.msk $0xffff, v35;
	v14 =	vld [tilespmem:s30+$0xFFFFFFD0]  }
0x5c: {  	v43 =	vadd.s32 v1, v24;
	[tilespmem:v39+s13+$0x0] =	vst.idx.msk $0xffff, v38;
	v13 =	vld [tilespmem:s30+$0x10]  }
0x5d: {  	v12 =	vadd.s32 v3, v12;
	v40 =	vld [tilespmem:s20+$0x70];
	[tilespmem:v47+s13+$0x0] =	vst.idx.msk $0xffff, v46  }
0x5e: {  	v8 =	vadd.s32 v3, v8;
	v57 =	vld [tilespmem:s20+$0xFFFFFFB0];
	[tilespmem:v41+s13+$0x0] =	vst.idx.msk $0xffff, v18  }
0x5f: {  	v50 =	vadd.s32 v2, v29;
	[tilespmem:v45+s13+$0x0] =	vst.idx.msk $0xffff, v44;
	v18 =	vld [tilespmem:s30+$0x60]  }
0x60: {  	v55 =	vadd.s32 v2, v25;
	[tilespmem:v42+s13+$0x0] =	vst.idx.msk $0xffff, v14;
	v54 =	vld [tilespmem:s30+$0xFFFFFFA0]  }
0x61: {  	v51 =	vadd.s32 v2, v23;
	[tilespmem:v43+s13+$0x0] =	vst.idx.msk $0xffff, v13;
	v14 =	vld [tilespmem:s30+$0xFFFFFFE0]  }
0x62: {  	v53 =	vadd.s32 v2, v24;
	[tilespmem:v12+s13+$0x0] =	vst.idx.msk $0xffff, v40;
	v52 =	vld [tilespmem:s30+$0x20]  }
0x63: {  	v49 =	vadd.s32 v3, v11;
	v48 =	vld [tilespmem:s20+$0xFFFFFFF0];
	[tilespmem:v8+s13+$0x0] =	vst.idx.msk $0xffff, v57  }
0x64: {  	v56 =	vadd.s32 v3, v9;
	v17 =	vld [tilespmem:s20+$0x30];
	[tilespmem:v50+s13+$0x0] =	vst.idx.msk $0xffff, v18  }
0x65: {  	v59 =	vadd.s32 v3, v29;
	[tilespmem:v55+s13+$0x0] =	vst.idx.msk $0xffff, v54;
	v58 =	vld [tilespmem:s30+$0x70]  }
0x66: {  	v63 =	vadd.s32 v3, v25;
	[tilespmem:v51+s13+$0x0] =	vst.idx.msk $0xffff, v14;
	v62 =	vld [tilespmem:s30+$0xFFFFFFB0]  }
0x67: {  	v60 =	vadd.s32 v3, v23;
	[tilespmem:v53+s13+$0x0] =	vst.idx.msk $0xffff, v52;
	v14 =	vld [tilespmem:s30+$0xFFFFFFF0]  }
0x68: {  	v61 =	vadd.s32 v3, v24;
	[tilespmem:v49+s13+$0x0] =	vst.idx.msk $0xffff, v48;
	v10 =	vld [tilespmem:s30+$0x30]  }
0x69: {  	s24 =	sadd.s32 s5, s19;
	[tilespmem:v56+s13+$0x0] =	vst.idx.msk $0xffff, v17  }
0x6a: {  	s25 =	sshll.u32 s24, $0x7;
	[tilespmem:v59+s13+$0x0] =	vst.idx.msk $0xffff, v58  }
0x6b: {  	s21 =	sand.u32 $0x3F00, s25;
	s20 =	sshll.u32 s24, $0xA;
	[tilespmem:v63+s13+$0x0] =	vst.idx.msk $0xffff, v62  }
0x6c: {  	s21 =	sadd.s32 s2, s21;
	s20 =	sand.u32 $0xFFE0000, s20;
	[tilespmem:v60+s13+$0x0] =	vst.idx.msk $0xffff, v14  }
0x6d: {  	s26 =	simm.s32 $0xA400;
	s21 =	sadd.s32 s20, s21;
	[tilespmem:v61+s13+$0x0] =	vst.idx.msk $0xffff, v10  }
0x6e: {  	[hbm4b:s21+s3] =	stream.linear.scatter [tilespmem:s26], [sflag:$0x3], $0x80, $0x38;
	[tilespmem:$0xE800] =	vst v63  }
0x6f: {  	s28 =	simm.s32 $0xA488;
	s29 =	sadd.s32 $0x10, s21  }
0x70: {  	[hbm4b:s29+s3] =	stream.linear.scatter [tilespmem:s28], [sflag:$0x3], $0x80, $0x38;
	[tilespmem:$0xE800] =	vst v63  }
0x71: {  	s22 =	simm.s32 $0x2200;
	s31 =	sadd.s32 $0x20, s21;
	s30 =	simm.s32 $0xA510  }
0x72: {  	[hbm4b:s31+s3] =	stream.linear.scatter [tilespmem:s30], [sflag:$0x3], $0x80, $0x38;
	[tilespmem:$0xE800] =	vst v63  }
0x73: {  	s23 =	simm.s32 $0xA598;
	s25 =	simm.s32 $0xA620;
	s24 =	sadd.s32 $0x30, s21  }
0x74: {  	[hbm4b:s24+s3] =	stream.linear.scatter [tilespmem:s23], [sflag:$0x3], $0x80, $0x38;
	[tilespmem:$0xE800] =	vst v63  }
0x75: {  	s20 =	simm.s32 $0x440;
	s26 =	sadd.s32 $0x40, s21;
	s28 =	simm.s32 $0xA6A8  }
0x76: {  	[hbm4b:s26+s3] =	stream.linear.scatter [tilespmem:s25], [sflag:$0x3], $0x80, $0x38;
	[tilespmem:$0xE800] =	vst v63  }
0x77: {  	s29 =	sadd.s32 $0x50, s21;
	s30 =	simm.s32 $0xA730;
	s31 =	sadd.s32 $0x60, s21  }
0x78: {  	[hbm4b:s29+s3] =	stream.linear.scatter [tilespmem:s28], [sflag:$0x3], $0x80, $0x38;
	[tilespmem:$0xE800] =	vst v63  }
0x79: {  	s23 =	simm.s32 $0xA7B8;
	s24 =	sadd.s32 $0x70, s21;
	s21 =	sadd.s32 $0x4000, s21  }
0x7a: {  	[hbm4b:s31+s3] =	stream.linear.scatter [tilespmem:s30], [sflag:$0x3], $0x80, $0x38;
	[tilespmem:$0xE800] =	vst v63  }
.LBB2_5:
0x7b: {  	[hbm4b:s24+s3] =	stream.linear.scatter [tilespmem:s23], [sflag:$0x3], $0x80, $0x38;
	[tilespmem:$0xE800] =	vst v63  }
0x7c: {  	s23 =	smov.u32 s20;
	s20 =	smov.u32 s22  }
0x7d: {  	s25 =	sadd.s32 $0x1100, s22;
	s20 =	sshra.s32 s20, $0x2;
	s24 =	sadd.s32 $0xA400, s23  }
0x7e: {  	[hbm4b:s21+s3] =	stream.linear.scatter [tilespmem:s24], [sflag:$0x3], $0x80, $0x38;
	[tilespmem:$0xE800] =	vst v63  }
0x7f: {  	p1 =	sne.s32 s22, $0x7700;
	s22 =	sadd.s32 $0xA488, s23;
	s24 =	sadd.s32 $0x10, s21  }
0x80: {  	[hbm4b:s24+s3] =	stream.linear.scatter [tilespmem:s22], [sflag:$0x3], $0x80, $0x38;
	[tilespmem:$0xE800] =	vst v63  }
0x81: {  	s22 =	sadd.s32 $0xA510, s23;
	s24 =	sadd.s32 $0x20, s21  }
0x82: {  	[hbm4b:s24+s3] =	stream.linear.scatter [tilespmem:s22], [sflag:$0x3], $0x80, $0x38;
	[tilespmem:$0xE800] =	vst v63  }
0x83: {  	s22 =	sadd.s32 $0xA598, s23;
	s24 =	sadd.s32 $0x30, s21  }
0x84: {  	[hbm4b:s24+s3] =	stream.linear.scatter [tilespmem:s22], [sflag:$0x3], $0x80, $0x38;
	[tilespmem:$0xE800] =	vst v63  }
0x85: {  	s22 =	sadd.s32 $0xA620, s23;
	s24 =	sadd.s32 $0x40, s21  }
0x86: {  	[hbm4b:s24+s3] =	stream.linear.scatter [tilespmem:s22], [sflag:$0x3], $0x80, $0x38;
	[tilespmem:$0xE800] =	vst v63  }
.Ltmp3:
0x87: {  	s22 =	sadd.s32 $0xA6A8, s23;
	s24 =	sadd.s32 $0x50, s21;
	(pc) =	sbr.rel @p1 .LBB2_5-.Ltmp3, $4  }
0x88: {  	[hbm4b:s24+s3] =	stream.linear.scatter [tilespmem:s22], [sflag:$0x3], $0x80, $0x38;
	[tilespmem:$0xE800] =	vst v63  }
0x89: {  	s22 =	sadd.s32 $0xA730, s23;
	s24 =	sadd.s32 $0x60, s21;
	s23 =	sadd.s32 $0xA7B8, s23  }
0x8a: {  	[hbm4b:s24+s3] =	stream.linear.scatter [tilespmem:s22], [sflag:$0x3], $0x80, $0x38;
	[tilespmem:$0xE800] =	vst v63  }
0x8b: {  	s24 =	sadd.s32 $0x70, s21;
	s21 =	sadd.s32 $0x4000, s21;
	s22 =	smov.u32 s25  }
0x8c: {  	[hbm4b:s24+s3] =	stream.linear.scatter [tilespmem:s23], [sflag:$0x3], $0x80, $0x38;
	[tilespmem:$0xE800] =	vst v63  }
0x8d: {  	s22 =	sadd.s32 $0xA400, s20  }
0x8e: {  	[hbm4b:s21+s3] =	stream.linear.scatter [tilespmem:s22], [sflag:$0x3], $0x80, $0x38;
	[tilespmem:$0xE800] =	vst v63  }
0x8f: {  	s25 =	sadd.s32 $0xA488, s20;
	s26 =	sadd.s32 $0x10, s21  }
0x90: {  	[hbm4b:s26+s3] =	stream.linear.scatter [tilespmem:s25], [sflag:$0x3], $0x80, $0x38;
	[tilespmem:$0xE800] =	vst v63  }
0x91: {  	s28 =	sadd.s32 $0xA510, s20;
	s29 =	sadd.s32 $0x20, s21  }
0x92: {  	[hbm4b:s29+s3] =	stream.linear.scatter [tilespmem:s28], [sflag:$0x3], $0x80, $0x38;
	[tilespmem:$0xE800] =	vst v63  }
0x93: {  	s30 =	sadd.s32 $0xA598, s20;
	s31 =	sadd.s32 $0x30, s21  }
0x94: {  	[hbm4b:s31+s3] =	stream.linear.scatter [tilespmem:s30], [sflag:$0x3], $0x80, $0x38;
	[tilespmem:$0xE800] =	vst v63  }
0x95: {  	s24 =	sadd.s32 $0xA620, s20;
	p1 =	seq.s32 s18, $0x63;
	s25 =	sadd.s32 $0x40, s21  }
0x96: {  	[hbm4b:s25+s3] =	stream.linear.scatter [tilespmem:s24], [sflag:$0x3], $0x80, $0x38;
	[tilespmem:$0xE800] =	vst v63  }
0x97: {  	s26 =	sadd.s32 $0xA6A8, s20;
	s28 =	sadd.s32 $0x50, s21;
	s29 =	sadd.s32 $0xA730, s20  }
0x98: {  	[hbm4b:s28+s3] =	stream.linear.scatter [tilespmem:s26], [sflag:$0x3], $0x80, $0x38;
	[tilespmem:$0xE800] =	vst v63  }
0x99: {  	s30 =	sadd.s32 $0x60, s21;
	s31 =	sadd.s32 $0xA7B8, s20;
	s20 =	sshll.u32 @!p1 s18, $0x8  }
0x9a: {  	[hbm4b:s30+s3] =	stream.linear.scatter [tilespmem:s29], [sflag:$0x3], $0x80, $0x38;
	[tilespmem:$0xE800] =	vst v63  }
0x9b: {  	s22 =	sadd.s32 $0x70, s21;
	s20 =	sand.u32 @!p1 $0x3FFFFF00, s20  }
0x9c: {  	[hbm4b:s22+s3] =	stream.linear.scatter [tilespmem:s31], [sflag:$0x3], $0x80, $0x38;
	[tilespmem:$0xE800] =	vst v63  }
0x9d: {  	s21 =	simm.s32 @!p1 $0x80;
	s20 =	sadd.s32 @!p1 $0x100, s20;
	s22 =	simm.s32 @!p1 $0x6400  }
0x9e: {  	[tilespmem:s22], [sflag:$0x1] =	stream.indirect.gather @!p1 [hbm4b:s4+s21], $0x40, s20, s21, $0xb8;
	[tilespmem:$0xE800] =	vst v63  }
0x9f: {  	_ =	swait.ge [sflag:s14], $0x2000  }
0xa0: {  	[sflag:s14] =	ssyncset.done $0x0  }
0xa1: {  	s20 =	simm.s32 @!p0 $0x4;
	[sflag:s14] =	ssyncadd.s32 $0xFFFFE000  }
0xa2: {  	s23 =	simm.s32 $0x3;
	_ =	swait.ge @!p0 [sflag:s20], $0x2000  }
0xa3: {  	v8 =	vmov s23;
	s24 =	simm.s32 $0x0;
	[sflag:s20] =	ssyncset.done @!p0 $0x0  }
0xa4: {  	v9 =	vand.u32 $0x7F, v8;
	s25 =	simm.s32 $0x1;
	v8 =	vmov s24;
	s21 =	simm.s32 $0x84F0;
	[sflag:s20] =	ssyncadd.s32 @!p0 $0xFFFFE000  }
0xa5: {  	v12 =	vadd.s32 v4, v9;
	v10 =	vand.u32 $0x7C, v8;
	v8 =	vmov s25;
	v11 =	vld [tilespmem:s21+$0xFFFFFFD0]  }
0xa6: {  	v14 =	vadd.s32 v4, v10;
	v15 =	vand.u32 $0x7D, v8;
	v13 =	vld [tilespmem:s21+$0xFFFFFF10]  }
0xa7: {  	s26 =	simm.s32 $0x2;
	v16 =	vadd.s32 v4, v15;
	v8 =	vld [tilespmem:s21+$0xFFFFFF50]  }
0xa8: {  	v17 =	vmov s26  }
0xa9: {  	v17 =	vand.u32 $0x7E, v17  }
0xaa: {  	v19 =	vadd.s32 v4, v17;
	v18 =	vld [tilespmem:s21+$0xFFFFFF90];
	[tilespmem:v12+s13+$0x0] =	vst.idx.msk $0xffff, v11  }
0xab: {  	v12 =	vadd.s32 v5, v9;
	[tilespmem:v14+s13+$0x0] =	vst.idx.msk $0xffff, v13;
	v11 =	vld [tilespmem:s21+$0xFFFFFFE0]  }
0xac: {  	v14 =	vadd.s32 v5, v10;
	[tilespmem:v16+s13+$0x0] =	vst.idx.msk $0xffff, v8;
	v13 =	vld [tilespmem:s21+$0xFFFFFF20]  }
0xad: {  	v16 =	vadd.s32 v5, v15;
	v8 =	vld [tilespmem:s21+$0xFFFFFF60];
	_ =	sdelay $0x1  }
0xae: {  	[tilespmem:v19+s13+$0x0] =	vst.idx.msk $0xffff, v18  }
0xaf: {  	v20 =	vadd.s32 v5, v17;
	v19 =	vld [tilespmem:s21+$0xFFFFFFA0];
	[tilespmem:v12+s13+$0x0] =	vst.idx.msk $0xffff, v11  }
0xb0: {  	s28 =	simm.s32 $0x7;
	v18 =	vadd.s32 v6, v9;
	[tilespmem:v14+s13+$0x0] =	vst.idx.msk $0xffff, v13;
	v11 =	vld [tilespmem:s21+$0xFFFFFFF0]  }
0xb1: {  	v14 =	vadd.s32 v6, v10;
	v12 =	vmov s28;
	[tilespmem:v16+s13+$0x0] =	vst.idx.msk $0xffff, v8;
	v13 =	vld [tilespmem:s21+$0xFFFFFF30]  }
0xb2: {  	v21 =	vadd.s32 v6, v15;
	s20 =	simm.s32 $0x85F0;
	v12 =	vand.u32 $0x7F, v12;
	v16 =	vld [tilespmem:s21+$0xFFFFFF70]  }
0xb3: {  	s29 =	simm.s32 $0x4;
	v22 =	vld [tilespmem:s20+$0xFFFFFFD0];
	v23 =	vadd.s32 v4, v12  }
0xb4: {  	s30 =	simm.s32 $0x5;
	v8 =	vmov s29;
	[tilespmem:v20+s13+$0x0] =	vst.idx.msk $0xffff, v19  }
0xb5: {  	v26 =	vmov s30;
	v8 =	vand.u32 $0x7C, v8;
	[tilespmem:v18+s13+$0x0] =	vst.idx.msk $0xffff, v11  }
0xb6: {  	s31 =	simm.s32 $0x6;
	v24 =	vld [tilespmem:s20+$0xFFFFFF10];
	v25 =	vadd.s32 v4, v8;
	v11 =	vand.u32 $0x7D, v26;
	[tilespmem:v14+s13+$0x0] =	vst.idx.msk $0xffff, v13  }
0xb7: {  	v18 =	vmov s31;
	v13 =	vld [tilespmem:s20+$0xFFFFFF50];
	[tilespmem:v21+s13+$0x0] =	vst.idx.msk $0xffff, v16;
	v14 =	vadd.s32 v4, v11  }
0xb8: {  	v20 =	vadd.s32 v7, v9;
	v16 =	vld [tilespmem:s21+$0xFFFFFFB0];
	v9 =	vand.u32 $0x7E, v18;
	[tilespmem:v23+s13+$0x0] =	vst.idx.msk $0xffff, v22;
	v22 =	vadd.s32 v6, v17  }
0xb9: {  	v18 =	vld [tilespmem:s20+$0xFFFFFF90];
	v62 =	vadd.s32 v4, v9  }
0xba: {  	v19 =	vld [tilespmem:s21+$0x0]  }
0xbb: {  	v63 =	vadd.s32 v5, v12;
	[tilespmem:v25+s13+$0x0] =	vst.idx.msk $0xffff, v24;
	v23 =	vld [tilespmem:s20+$0xFFFFFFE0]  }
0xbc: {  	v27 =	vadd.s32 v5, v8;
	v25 =	vld [tilespmem:s20+$0xFFFFFF20];
	[tilespmem:v14+s13+$0x0] =	vst.idx.msk $0xffff, v13  }
0xbd: {  	v29 =	vadd.s32 v7, v15;
	v28 =	vld [tilespmem:s21+$0xFFFFFF80];
	[tilespmem:v22+s13+$0x0] =	vst.idx.msk $0xffff, v16  }
0xbe: {  	v22 =	vadd.s32 v5, v11;
	v21 =	vld [tilespmem:s20+$0xFFFFFF60];
	[tilespmem:v62+s13+$0x0] =	vst.idx.msk $0xffff, v18  }
0xbf: {  	[tilespmem:v20+s13+$0x0] =	vst.idx.msk $0xffff, v19;
	v20 =	vadd.s32 v5, v9;
	v18 =	vld [tilespmem:s20+$0xFFFFFFA0]  }
0xc0: {  	v19 =	vadd.s32 v7, v17;
	[tilespmem:v63+s13+$0x0] =	vst.idx.msk $0xffff, v23;
	v14 =	vld [tilespmem:s21+$0xFFFFFFC0]  }
0xc1: {  	s19 =	sor.u32 $0x1, s19;
	v16 =	vadd.s32 v6, v12;
	[tilespmem:v27+s13+$0x0] =	vst.idx.msk $0xffff, v25;
	v13 =	vld [tilespmem:s20+$0xFFFFFFF0]  }
0xc2: {  	s23 =	simm.s32 $0xC;
	s24 =	simm.s32 $0xB;
	s22 =	simm.s32 $0x8;
	v17 =	vadd.s32 v6, v8;
	[tilespmem:v29+s13+$0x0] =	vst.idx.msk $0xffff, v28;
	v15 =	vld [tilespmem:s20+$0xFFFFFF30]  }
.LBB2_7:
0xc3: {  	p0 =	slt.u32 s23, $0x7C;
	v23 =	vmov s24;
	[tilespmem:v22+s13+$0x0] =	vst.idx.msk $0xffff, v21;
	v21 =	vld [tilespmem:s21+$0xFFFFFF40];
	v22 =	vadd.s32 v7, v10;
	v10 =	vmov v8;
	s21 =	smov.u32 s20  }
0xc4: {  	v8 =	vmov s22;
	v25 =	vadd.s32 v6, v11;
	s20 =	sadd.s32 $0x100, s20;
	v23 =	vand.u32 $0x7F, v23;
	v24 =	vld [tilespmem:s21+$0xFFFFFF70];
	[tilespmem:v20+s13+$0x0] =	vst.idx.msk $0xffff, v18  }
0xc5: {  	s24 =	sadd.s32 $0x1, s22;
	v8 =	vand.u32 $0x7C, v8;
	v18 =	vld [tilespmem:s20+$0xFFFFFFD0];
	v20 =	vadd.s32 v4, v23;
	[tilespmem:v19+s13+$0x0] =	vst.idx.msk $0xffff, v14  }
0xc6: {  	v26 =	vmov s24;
	s24 =	sadd.s32 $0x2, s22;
	s22 =	smov.u32 s23;
	v19 =	vadd.s32 v4, v8;
	v14 =	vld [tilespmem:s20+$0xFFFFFF10];
	[tilespmem:v16+s13+$0x0] =	vst.idx.msk $0xffff, v13  }
0xc7: {  	v13 =	vand.u32 $0x7D, v26;
	v16 =	vmov s24;
	[tilespmem:v17+s13+$0x0] =	vst.idx.msk $0xffff, v15;
	v15 =	vld [tilespmem:s21+$0x0];
	v17 =	vadd.s32 v7, v12;
	v12 =	vmovc v23  }
0xc8: {  	v26 =	vadd.s32 v4, v13;
	v16 =	vand.u32 $0x7E, v16;
	v23 =	vld [tilespmem:s20+$0xFFFFFF50];
	[tilespmem:v22+s13+$0x0] =	vst.idx.msk $0xffff, v21  }
0xc9: {  	v28 =	vadd.s32 v4, v16;
	v27 =	vld [tilespmem:s20+$0xFFFFFF90];
	[tilespmem:v25+s13+$0x0] =	vst.idx.msk $0xffff, v24  }
0xca: {  	v25 =	vadd.s32 v6, v9;
	[tilespmem:v20+s13+$0x0] =	vst.idx.msk $0xffff, v18;
	v24 =	vld [tilespmem:s21+$0xFFFFFFB0]  }
0xcb: {  	[tilespmem:v19+s13+$0x0] =	vst.idx.msk $0xffff, v14;
	v14 =	vld [tilespmem:s20+$0xFFFFFFE0];
	v19 =	vadd.s32 v5, v12  }
0xcc: {  	v30 =	vadd.s32 v5, v8;
	v29 =	vld [tilespmem:s20+$0xFFFFFF20];
	[tilespmem:v17+s13+$0x0] =	vst.idx.msk $0xffff, v15  }
0xcd: {  	[tilespmem:v26+s13+$0x0] =	vst.idx.msk $0xffff, v23;
	v23 =	vld [tilespmem:s21+$0xFFFFFF80];
	v26 =	vadd.s32 v7, v11;
	v11 =	vmov v13  }
.Ltmp4:
0xce: {  	v21 =	vld [tilespmem:s20+$0xFFFFFF60];
	v22 =	vadd.s32 v5, v11;
	[tilespmem:v28+s13+$0x0] =	vst.idx.msk $0xffff, v27;
	(pc) =	sbr.rel @p0 .LBB2_7-.Ltmp4, $4  }
0xcf: {  	v20 =	vadd.s32 v5, v16;
	v18 =	vld [tilespmem:s20+$0xFFFFFFA0];
	[tilespmem:v25+s13+$0x0] =	vst.idx.msk $0xffff, v24  }
0xd0: {  	[tilespmem:v19+s13+$0x0] =	vst.idx.msk $0xffff, v14;
	v14 =	vld [tilespmem:s21+$0xFFFFFFC0];
	v19 =	vadd.s32 v7, v9;
	v9 =	vmov v16  }
0xd1: {  	v16 =	vadd.s32 v6, v12;
	[tilespmem:v30+s13+$0x0] =	vst.idx.msk $0xffff, v29;
	v13 =	vld [tilespmem:s20+$0xFFFFFFF0]  }
0xd2: {  	s23 =	sadd.s32 $0x4, s23;
	s24 =	sadd.s32 $0x3, s22;
	v17 =	vadd.s32 v6, v8;
	v15 =	vld [tilespmem:s20+$0xFFFFFF30];
	[tilespmem:v26+s13+$0x0] =	vst.idx.msk $0xffff, v23  }
0xd3: {  	_ =	sdelay $0x2  }
0xd4: {  	v23 =	vmov s24  }
0xd5: {  	s23 =	sadd.s32 $0x1, s22;
	[tilespmem:v22+s13+$0x0] =	vst.idx.msk $0xffff, v21;
	v28 =	vld [tilespmem:s21+$0xFFFFFF40];
	v10 =	vadd.s32 v7, v10;
	s25 =	sadd.s32 $0x100, s20;
	v25 =	vmov s22;
	v29 =	vand.u32 $0x7F, v23  }
0xd6: {  	s26 =	sadd.s32 $0x2, s22;
	v30 =	vmov s23;
	[tilespmem:v20+s13+$0x0] =	vst.idx.msk $0xffff, v18;
	v31 =	vld [tilespmem:s25+$0xFFFFFFD0];
	v25 =	vand.u32 $0x7C, v25;
	v32 =	vadd.s32 v4, v29  }
0xd7: {  	v24 =	vmov s26;
	v26 =	vld [tilespmem:s25+$0xFFFFFF10];
	v23 =	vand.u32 $0x7D, v30;
	[tilespmem:v19+s13+$0x0] =	vst.idx.msk $0xffff, v14;
	v37 =	vadd.s32 v4, v25  }
0xd8: {  	v33 =	vld [tilespmem:s25+$0xFFFFFF50];
	v24 =	vand.u32 $0x7E, v24;
	v34 =	vadd.s32 v4, v23;
	[tilespmem:v16+s13+$0x0] =	vst.idx.msk $0xffff, v13  }
0xd9: {  	v35 =	vld [tilespmem:s25+$0xFFFFFF90];
	v36 =	vadd.s32 v4, v24;
	[tilespmem:v17+s13+$0x0] =	vst.idx.msk $0xffff, v15  }
0xda: {  	v39 =	vadd.s32 v6, v11;
	v38 =	vld [tilespmem:s20+$0xFFFFFF70];
	[tilespmem:v10+s13+$0x0] =	vst.idx.msk $0xffff, v28  }
0xdb: {  	v47 =	vadd.s32 v6, v9;
	v46 =	vld [tilespmem:s20+$0xFFFFFFB0];
	[tilespmem:v32+s13+$0x0] =	vst.idx.msk $0xffff, v31  }
0xdc: {  	v41 =	vadd.s32 v5, v29;
	[tilespmem:v37+s13+$0x0] =	vst.idx.msk $0xffff, v26;
	v18 =	vld [tilespmem:s25+$0xFFFFFFE0]  }
0xdd: {  	v45 =	vadd.s32 v5, v25;
	[tilespmem:v34+s13+$0x0] =	vst.idx.msk $0xffff, v33;
	v44 =	vld [tilespmem:s25+$0xFFFFFF20]  }
0xde: {  	v42 =	vadd.s32 v5, v23;
	[tilespmem:v36+s13+$0x0] =	vst.idx.msk $0xffff, v35;
	v14 =	vld [tilespmem:s25+$0xFFFFFF60]  }
0xdf: {  	v43 =	vadd.s32 v5, v24;
	[tilespmem:v39+s13+$0x0] =	vst.idx.msk $0xffff, v38;
	v13 =	vld [tilespmem:s25+$0xFFFFFFA0]  }
0xe0: {  	v12 =	vadd.s32 v7, v12;
	v40 =	vld [tilespmem:s20+$0x0];
	[tilespmem:v47+s13+$0x0] =	vst.idx.msk $0xffff, v46  }
0xe1: {  	v8 =	vadd.s32 v7, v8;
	v57 =	vld [tilespmem:s20+$0xFFFFFF40];
	[tilespmem:v41+s13+$0x0] =	vst.idx.msk $0xffff, v18  }
0xe2: {  	v50 =	vadd.s32 v6, v29;
	[tilespmem:v45+s13+$0x0] =	vst.idx.msk $0xffff, v44;
	v18 =	vld [tilespmem:s25+$0xFFFFFFF0]  }
0xe3: {  	v55 =	vadd.s32 v6, v25;
	[tilespmem:v42+s13+$0x0] =	vst.idx.msk $0xffff, v14;
	v54 =	vld [tilespmem:s25+$0xFFFFFF30]  }
0xe4: {  	v51 =	vadd.s32 v6, v23;
	[tilespmem:v43+s13+$0x0] =	vst.idx.msk $0xffff, v13;
	v14 =	vld [tilespmem:s25+$0xFFFFFF70]  }
0xe5: {  	v53 =	vadd.s32 v6, v24;
	[tilespmem:v12+s13+$0x0] =	vst.idx.msk $0xffff, v40;
	v52 =	vld [tilespmem:s25+$0xFFFFFFB0]  }
0xe6: {  	v49 =	vadd.s32 v7, v11;
	v48 =	vld [tilespmem:s20+$0xFFFFFF80];
	[tilespmem:v8+s13+$0x0] =	vst.idx.msk $0xffff, v57  }
0xe7: {  	v56 =	vadd.s32 v7, v9;
	v17 =	vld [tilespmem:s20+$0xFFFFFFC0];
	[tilespmem:v50+s13+$0x0] =	vst.idx.msk $0xffff, v18  }
0xe8: {  	v59 =	vadd.s32 v7, v29;
	[tilespmem:v55+s13+$0x0] =	vst.idx.msk $0xffff, v54;
	v58 =	vld [tilespmem:s25+$0x0]  }
0xe9: {  	v63 =	vadd.s32 v7, v25;
	[tilespmem:v51+s13+$0x0] =	vst.idx.msk $0xffff, v14;
	v62 =	vld [tilespmem:s25+$0xFFFFFF40]  }
0xea: {  	v60 =	vadd.s32 v7, v23;
	[tilespmem:v53+s13+$0x0] =	vst.idx.msk $0xffff, v52;
	v14 =	vld [tilespmem:s25+$0xFFFFFF80]  }
0xeb: {  	v61 =	vadd.s32 v7, v24;
	[tilespmem:v49+s13+$0x0] =	vst.idx.msk $0xffff, v48;
	v10 =	vld [tilespmem:s25+$0xFFFFFFC0]  }
0xec: {  	s19 =	sadd.s32 s5, s19;
	[tilespmem:v56+s13+$0x0] =	vst.idx.msk $0xffff, v17  }
0xed: {  	s28 =	sshll.u32 s19, $0x7;
	[tilespmem:v59+s13+$0x0] =	vst.idx.msk $0xffff, v58  }
0xee: {  	s19 =	sshll.u32 s19, $0xA;
	s20 =	sand.u32 $0x3F80, s28;
	[tilespmem:v63+s13+$0x0] =	vst.idx.msk $0xffff, v62  }
0xef: {  	s19 =	sand.u32 $0xFFE0000, s19;
	s20 =	sadd.s32 s2, s20;
	[tilespmem:v60+s13+$0x0] =	vst.idx.msk $0xffff, v14  }
0xf0: {  	s29 =	simm.s32 $0xC600;
	s20 =	sadd.s32 s19, s20;
	[tilespmem:v61+s13+$0x0] =	vst.idx.msk $0xffff, v10  }
0xf1: {  	[hbm4b:s20+s3] =	stream.linear.scatter [tilespmem:s29], [sflag:$0x4], $0x80, $0x38;
	[tilespmem:$0xE800] =	vst v63  }
0xf2: {  	s30 =	simm.s32 $0xC688;
	s31 =	sadd.s32 $0x10, s20  }
0xf3: {  	[hbm4b:s31+s3] =	stream.linear.scatter [tilespmem:s30], [sflag:$0x4], $0x80, $0x38;
	[tilespmem:$0xE800] =	vst v63  }
0xf4: {  	s21 =	simm.s32 $0xC710;
	s23 =	simm.s32 $0xC798;
	s22 =	sadd.s32 $0x20, s20  }
0xf5: {  	[hbm4b:s22+s3] =	stream.linear.scatter [tilespmem:s21], [sflag:$0x4], $0x80, $0x38;
	[tilespmem:$0xE800] =	vst v63  }
0xf6: {  	s28 =	simm.s32 $0xC8A8;
	s19 =	simm.s32 $0x440;
	s24 =	sadd.s32 $0x30, s20  }
0xf7: {  	[hbm4b:s24+s3] =	stream.linear.scatter [tilespmem:s23], [sflag:$0x4], $0x80, $0x38;
	[tilespmem:$0xE800] =	vst v63  }
0xf8: {  	s26 =	sadd.s32 $0x40, s20;
	s25 =	simm.s32 $0xC820;
	s29 =	sadd.s32 $0x50, s20  }
0xf9: {  	[hbm4b:s26+s3] =	stream.linear.scatter [tilespmem:s25], [sflag:$0x4], $0x80, $0x38;
	[tilespmem:$0xE800] =	vst v63  }
0xfa: {  	s30 =	simm.s32 $0xC930;
	s31 =	sadd.s32 $0x60, s20;
	s21 =	simm.s32 $0x2200  }
0xfb: {  	[hbm4b:s29+s3] =	stream.linear.scatter [tilespmem:s28], [sflag:$0x4], $0x80, $0x38;
	[tilespmem:$0xE800] =	vst v63  }
0xfc: {  	s22 =	simm.s32 $0xC9B8;
	s23 =	sadd.s32 $0x70, s20;
	s20 =	sadd.s32 $0x4000, s20  }
0xfd: {  	[hbm4b:s31+s3] =	stream.linear.scatter [tilespmem:s30], [sflag:$0x4], $0x80, $0x38;
	[tilespmem:$0xE800] =	vst v63  }
.LBB2_9:
0xfe: {  	[hbm4b:s23+s3] =	stream.linear.scatter [tilespmem:s22], [sflag:$0x4], $0x80, $0x38;
	[tilespmem:$0xE800] =	vst v63  }
0xff: {  	s22 =	smov.u32 s19;
	s19 =	smov.u32 s21  }
0x100: {  	s24 =	sadd.s32 $0x1100, s21;
	s19 =	sshra.s32 s19, $0x2;
	s23 =	sadd.s32 $0xC600, s22  }
0x101: {  	[hbm4b:s20+s3] =	stream.linear.scatter [tilespmem:s23], [sflag:$0x4], $0x80, $0x38;
	[tilespmem:$0xE800] =	vst v63  }
0x102: {  	p0 =	sne.s32 s21, $0x7700;
	s21 =	sadd.s32 $0xC688, s22;
	s23 =	sadd.s32 $0x10, s20  }
0x103: {  	[hbm4b:s23+s3] =	stream.linear.scatter [tilespmem:s21], [sflag:$0x4], $0x80, $0x38;
	[tilespmem:$0xE800] =	vst v63  }
0x104: {  	s21 =	sadd.s32 $0xC710, s22;
	s23 =	sadd.s32 $0x20, s20  }
0x105: {  	[hbm4b:s23+s3] =	stream.linear.scatter [tilespmem:s21], [sflag:$0x4], $0x80, $0x38;
	[tilespmem:$0xE800] =	vst v63  }
0x106: {  	s21 =	sadd.s32 $0xC798, s22;
	s23 =	sadd.s32 $0x30, s20  }
0x107: {  	[hbm4b:s23+s3] =	stream.linear.scatter [tilespmem:s21], [sflag:$0x4], $0x80, $0x38;
	[tilespmem:$0xE800] =	vst v63  }
0x108: {  	s21 =	sadd.s32 $0xC820, s22;
	s23 =	sadd.s32 $0x40, s20  }
0x109: {  	[hbm4b:s23+s3] =	stream.linear.scatter [tilespmem:s21], [sflag:$0x4], $0x80, $0x38;
	[tilespmem:$0xE800] =	vst v63  }
.Ltmp5:
0x10a: {  	s21 =	sadd.s32 $0xC8A8, s22;
	s23 =	sadd.s32 $0x50, s20;
	(pc) =	sbr.rel @p0 .LBB2_9-.Ltmp5, $4  }
0x10b: {  	[hbm4b:s23+s3] =	stream.linear.scatter [tilespmem:s21], [sflag:$0x4], $0x80, $0x38;
	[tilespmem:$0xE800] =	vst v63  }
0x10c: {  	s21 =	sadd.s32 $0xC930, s22;
	s23 =	sadd.s32 $0x60, s20;
	s22 =	sadd.s32 $0xC9B8, s22  }
0x10d: {  	[hbm4b:s23+s3] =	stream.linear.scatter [tilespmem:s21], [sflag:$0x4], $0x80, $0x38;
	[tilespmem:$0xE800] =	vst v63  }
0x10e: {  	s23 =	sadd.s32 $0x70, s20;
	s20 =	sadd.s32 $0x4000, s20;
	s21 =	smov.u32 s24  }
0x10f: {  	[hbm4b:s23+s3] =	stream.linear.scatter [tilespmem:s22], [sflag:$0x4], $0x80, $0x38;
	[tilespmem:$0xE800] =	vst v63  }
0x110: {  	s21 =	sadd.s32 $0xC600, s19  }
0x111: {  	[hbm4b:s20+s3] =	stream.linear.scatter [tilespmem:s21], [sflag:$0x4], $0x80, $0x38;
	[tilespmem:$0xE800] =	vst v63  }
0x112: {  	s25 =	sadd.s32 $0xC688, s19;
	s26 =	sadd.s32 $0x10, s20  }
0x113: {  	[hbm4b:s26+s3] =	stream.linear.scatter [tilespmem:s25], [sflag:$0x4], $0x80, $0x38;
	[tilespmem:$0xE800] =	vst v63  }
0x114: {  	s28 =	sadd.s32 $0xC710, s19;
	s29 =	sadd.s32 $0x20, s20  }
0x115: {  	[hbm4b:s29+s3] =	stream.linear.scatter [tilespmem:s28], [sflag:$0x4], $0x80, $0x38;
	[tilespmem:$0xE800] =	vst v63  }
0x116: {  	s30 =	sadd.s32 $0xC798, s19;
	s31 =	sadd.s32 $0x30, s20  }
0x117: {  	[hbm4b:s31+s3] =	stream.linear.scatter [tilespmem:s30], [sflag:$0x4], $0x80, $0x38;
	[tilespmem:$0xE800] =	vst v63  }
0x118: {  	s23 =	sadd.s32 $0xC820, s19;
	s24 =	sadd.s32 $0x40, s20  }
0x119: {  	[hbm4b:s24+s3] =	stream.linear.scatter [tilespmem:s23], [sflag:$0x4], $0x80, $0x38;
	[tilespmem:$0xE800] =	vst v63  }
0x11a: {  	s25 =	sadd.s32 $0xC8A8, s19;
	s26 =	sadd.s32 $0x50, s20  }
0x11b: {  	[hbm4b:s26+s3] =	stream.linear.scatter [tilespmem:s25], [sflag:$0x4], $0x80, $0x38;
	[tilespmem:$0xE800] =	vst v63  }
.Ltmp6:
0x11c: {  	_ = 	snop;
	(pc) =	sbr.rel @p1 .LBB2_12-.Ltmp6, $4  }
0x11d: {  	s28 =	sadd.s32 $0xC930, s19;
	s29 =	sadd.s32 $0x60, s20  }
0x11e: {  	[hbm4b:s29+s3] =	stream.linear.scatter [tilespmem:s28], [sflag:$0x4], $0x80, $0x38;
	[tilespmem:$0xE800] =	vst v63  }
0x11f: {  	s30 =	sadd.s32 $0xC9B8, s19;
	s31 =	sadd.s32 $0x70, s20  }
0x120: {  	[hbm4b:s31+s3] =	stream.linear.scatter [tilespmem:s30], [sflag:$0x4], $0x80, $0x38;
	[tilespmem:$0xE800] =	vst v63  }
.Ltmp7:
0x121: {  	(pc) =	sbr.rel .LBB2_2-.Ltmp7, $4  }
0x122: {  	s19 =	sshll.u32 s18, $0x8  }
0x123: {  	s19 =	sand.u32 $0x3FFFFF00, s19  }
0x124: {  	s18 =	sadd.s32 $0x1, s18;
	s19 =	sadd.s32 $0x180, s19  }
0x125: {  	[tilespmem:s11], [sflag:$0x2] =	stream.indirect.gather [hbm4b:s4+s9], $0x40, s19, s9, $0xb8;
	[tilespmem:$0xE800] =	vst v63  }
.LBB2_13:
0x126: {  	_ =	sfence.sel $0x180000  }
0x127: {  	[bflag:$0x0] =	sbarrier.arrive $0xFFFF  }
0x128: {  	p0 =	sne.s32 s1, $0x0;
	_ =	strace $0x90000047  }
0x129: {  	s0 =	sadd.s32 @!p0 $0x100000, s0;
	[bflag:$0x2] =	sbarrier.arrive $0xFFFF  }
0x12a: {  	[sflag:s0] =	ssyncadd.tile.s32 @!p0 $0x1;
	_ =	shalt  }
.Lfunc_end2:
_tile_overlayer_lowered:
.L_overlay_start_2:
0x12b: {  	(tag) =	ssettag $0x2  }
0x12c: {  	s0 =	rddreg [dreg:$0x0];
	s2 =	stileid.u32  }
0x12d: {  	s1 =	rddreg [dreg:$0x1];
	p0 =	sne.s32 s2, $0x0  }
0x12e: {  	s3 =	rddreg [dreg:$0x2];
	[bflag:$0x3] =	sbarrier.arrive $0xFFFF;
	s2 =	simm.s32 @!p0 $0x1C05  }
0x12f: {  	[timem:s3], [sflag:s2] =	dma.local @!p0 [hbm:s0], s1  }
0x130: {  	s0 =	simm.s32 @!p0 $0x5  }
0x131: {  	_ =	swait.ge @!p0 [sflag:s0], s1  }
0x132: {  	s1 =	ssub.s32 @!p0 $0x0, s1;
	[sflag:s0] =	ssyncset.done @!p0 $0x0  }
0x133: {  	[sflag:s0] =	ssyncadd.s32 @!p0 s1  }
0x134: {  	[bflag:$0x3] =	sbarrier.arrive $0xFFFF  }
0x135: {  	_ =	shalt  }

</sc_bundles>
